<compile_context>
chip_gen: v7x
topology: tpu7x:2x2x1
jax: 0.10.2.dev20260603
libtpu: 0.0.44.dev20260713+nightly
codegen_flags: <defaults>
</compile_context>

<pallas_src>
import functools

import jax
import jax.numpy as jnp
from jax import lax
from jax.experimental import pallas as pl
from jax.experimental.pallas import tpu as pltpu
from jax.experimental.pallas import tpu_sc as plsc

N_EDGES = 320000
N_NODES = 10000
D = 128

NC = 2
NS = 16

CH = 128
NCH = N_EDGES // CH
PCC = NCH // NC
BASE = PCC // NS
REM = PCC - BASE * NS
MAXCH = BASE + 1
MAXCHA = 88
NCH_PAD = 2504

ZROWS = 78
ROWS_PER_TILE = 8 * ZROWS
TAIL0 = NS * ROWS_PER_TILE
TAIL = N_NODES - TAIL0

_sc_mesh = plsc.VectorSubcoreMesh(core_axis_name="c", subcore_axis_name="s")


@functools.partial(
    pl.kernel,
    out_type=jax.ShapeDtypeStruct((NC * N_NODES, D), jnp.float32),
    mesh=_sc_mesh,
    scratch_types=[
        pltpu.VMEM((CH, D), jnp.float32),
        pltpu.VMEM((CH, D), jnp.float32),
        pltpu.VMEM((MAXCHA, CH), jnp.int32),
        pltpu.VMEM_SHARED((N_NODES, D), jnp.float32),
        pltpu.SemaphoreType.DMA,
        pltpu.SemaphoreType.DMA,
    ],
)
def _sc_segment_sum(x_hbm, idx_hbm, out_hbm, xbuf0, xbuf1, idxbuf,
                    acc, fsem0, fsem1):
    c = lax.axis_index("c")
    s = lax.axis_index("s")
    start = c * PCC + s * BASE + jnp.minimum(s, REM)
    n_chunks = BASE + (s < REM).astype(jnp.int32)

    start_al = pl.multiple_of((start // 8) * 8, 8)
    off = start - start_al
    pltpu.async_copy(x_hbm.at[pl.ds(pl.multiple_of(start * CH, 8), CH)],
                     xbuf0, fsem0)
    pltpu.async_copy(idx_hbm.at[pl.ds(start_al, MAXCHA)], idxbuf, fsem1)

    def zero_row(r, _):
        for j in range(D // 16):
            xbuf1[r, pl.ds(j * 16, 16)] = jnp.zeros((16,), jnp.float32)
        return 0
    lax.fori_loop(0, CH, zero_row, 0)
    row0 = s * ROWS_PER_TILE
    for k in range(ROWS_PER_TILE // CH):
        pltpu.sync_copy(xbuf1, acc.at[pl.ds(row0 + k * CH, CH)])
    zrem = ROWS_PER_TILE - (ROWS_PER_TILE // CH) * CH
    pltpu.sync_copy(xbuf1.at[pl.ds(0, zrem)],
                    acc.at[pl.ds(row0 + ROWS_PER_TILE - zrem, zrem)])

    @pl.when(s == NS - 1)
    def _zero_tail():
        pltpu.sync_copy(xbuf1.at[pl.ds(0, TAIL)], acc.at[pl.ds(TAIL0, TAIL)])

    pltpu.make_async_copy(idx_hbm.at[pl.ds(0, MAXCHA)], idxbuf, fsem1).wait()
    plsc.subcore_barrier()

    def fetch(chunk, buf, sem):
        row = pl.multiple_of(jnp.minimum(chunk, NCH - 1) * CH, 8)
        pltpu.async_copy(x_hbm.at[pl.ds(row, CH)], buf, sem)

    def fetch_wait(buf, sem):
        pltpu.make_async_copy(x_hbm.at[pl.ds(0, CH)], buf, sem).wait()

    fetch(start + 1, xbuf1, fsem1)

    def body(i, _):
        j0 = 2 * i
        fetch_wait(xbuf0, fsem0)
        pltpu.sync_copy(xbuf0, acc.at[idxbuf.at[off + j0]], add=True)
        fetch(start + j0 + 2, xbuf0, fsem0)
        fetch_wait(xbuf1, fsem1)
        pltpu.sync_copy(xbuf1, acc.at[idxbuf.at[off + j0 + 1]], add=True)
        fetch(start + j0 + 3, xbuf1, fsem1)
        return 0
    lax.fori_loop(0, BASE // 2, body, 0)

    fetch_wait(xbuf0, fsem0)
    fetch_wait(xbuf1, fsem1)

    @pl.when(s < REM)
    def _tail_chunk():
        pltpu.sync_copy(xbuf0, acc.at[idxbuf.at[off + BASE]], add=True)

    plsc.subcore_barrier()

    out0 = c * N_NODES + row0
    pltpu.sync_copy(acc.at[pl.ds(row0, ROWS_PER_TILE)],
                    out_hbm.at[pl.ds(out0, ROWS_PER_TILE)])

    @pl.when(s == NS - 1)
    def _copy_tail():
        pltpu.sync_copy(acc.at[pl.ds(TAIL0, TAIL)],
                        out_hbm.at[pl.ds(c * N_NODES + TAIL0, TAIL)])


def _mlp_body(a_ref, b_ref, w1_ref, b1_ref, w2_ref, b2_ref, o_ref):
    ssum = a_ref[...] + b_ref[...]
    h = lax.dot_general(ssum, w1_ref[...], (((1,), (1,)), ((), ())),
                        preferred_element_type=jnp.float32)
    h = jnp.maximum(h + b1_ref[...], 0.0)
    o = lax.dot_general(h, w2_ref[...], (((1,), (1,)), ((), ())),
                        preferred_element_type=jnp.float32)
    o_ref[...] = o + b2_ref[...]


ROW_BLK = 2000
N_BLKS = N_NODES // ROW_BLK


def _mlp(partials, W1, b1, W2, b2):
    return pl.pallas_call(
        _mlp_body,
        grid=(N_BLKS,),
        in_specs=[
            pl.BlockSpec((ROW_BLK, D), lambda i: (i, 0)),
            pl.BlockSpec((ROW_BLK, D), lambda i: (i + N_BLKS, 0)),
            pl.BlockSpec((D, D), lambda i: (0, 0)),
            pl.BlockSpec((1, D), lambda i: (0, 0)),
            pl.BlockSpec((D, D), lambda i: (0, 0)),
            pl.BlockSpec((1, D), lambda i: (0, 0)),
        ],
        out_specs=pl.BlockSpec((ROW_BLK, D), lambda i: (i, 0)),
        out_shape=jax.ShapeDtypeStruct((N_NODES, D), jnp.float32),
    )(partials, partials, W1, b1.reshape(1, D), W2, b2.reshape(1, D))


def kernel(x, index, W1, b1, W2, b2):
    idx = index.astype(jnp.int32).reshape(NCH, CH)
    idx = jnp.pad(idx, ((0, NCH_PAD - NCH), (0, 0)))
    partials = _sc_segment_sum(x, idx)
    return _mlp(partials, W1, b1, W2, b2)

# --- scband reference (transcript-rebuilt; emitter-appended) ---
"""Pipeline reference for scband-gin-agg-34737695490534 (READ-ONLY COPY).

The authoritative reference and input builder live on the scoring server;
editing this copy changes nothing except your own understanding.
"""

import jax, jax.numpy as jnp
import numpy as np

N_NODES = 10000
N_EDGES = 320000
D = 128

def setup_inputs(seed: int = 0) -> dict:
    key = jax.random.key(seed)
    k1, k2, k3, k4, k5, k6 = jax.random.split(key, 6)
    x = jax.random.normal(k1, (N_EDGES, D), dtype=jnp.float32)
    index = jnp.sort(jax.random.randint(k2, (N_EDGES,), 0, N_NODES, dtype=jnp.int64))
    # MLP params: Linear(D, D) -> ReLU -> Linear(D, D); torch Linear stores W as [out, in]
    bound = 1.0 / np.sqrt(D)
    W1 = jax.random.uniform(k3, (D, D), dtype=jnp.float32, minval=-bound, maxval=bound)
    b1 = jax.random.uniform(k4, (D,), dtype=jnp.float32, minval=-bound, maxval=bound)
    W2 = jax.random.uniform(k5, (D, D), dtype=jnp.float32, minval=-bound, maxval=bound)
    b2 = jax.random.uniform(k6, (D,), dtype=jnp.float32, minval=-bound, maxval=bound)
    return {"x": x, "index": index, "W1": W1, "b1": b1, "W2": W2, "b2": b2}

def reference(x, index, W1, b1, W2, b2):
    # scatter(x, index, dim=0, reduce='sum')
    out = jax.ops.segment_sum(x, index, num_segments=N_NODES)
    # nn.Sequential(Linear, ReLU, Linear)
    h = jnp.maximum(out @ W1.T + b1, 0.0)
    return h @ W2.T + b2

if __name__ == "__main__":
    import jax
    _d = setup_inputs()
    print(jax.jit(kernel)(*tuple(_d.values())))

</pallas_src>

<mosaic_0001>
#map = affine_map<(d0, d1) -> (0, 0)>
module attributes {stable_mosaic.version = 14 : i64} {
  func.func @_sc_segment_sum(%arg0: i32, %arg1: i32, %arg2: memref<320000x128xf32, #tpu.memory_space<hbm>>, %arg3: memref<2504x128xi32, #tpu.memory_space<hbm>>, %arg4: memref<20000x128xf32, #tpu.memory_space<hbm>>, %arg5: memref<128x128xf32, #tpu.memory_space<vmem>>, %arg6: memref<128x128xf32, #tpu.memory_space<vmem>>, %arg7: memref<88x128xi32, #tpu.memory_space<vmem>>, %arg8: memref<10000x128xf32, #tpu.memory_space<vmem_shared>>, %arg9: memref<!tpu.dma_semaphore, #tpu.memory_space<semaphore_mem>>, %arg10: memref<!tpu.dma_semaphore, #tpu.memory_space<semaphore_mem>>) attributes {dimension_semantics = [#tpu.dimension_semantics<core_parallel>, #tpu.dimension_semantics<subcore_parallel>], iteration_bounds = array<i64: 2, 16>, scalar_prefetch = 0 : i64, scratch_operands = 6 : i64, tpu.core_type = #tpu.core_type<sc_vector_subcore>, window_params = [{transform_indices = #map}, {transform_indices = #map}, {transform_indices = #map}]} {
    %mul3A = arith.constant 1250 : i32
    %mul3A_0 = arith.muli %arg0, %mul3A : i32
    %mul3A_1 = arith.constant 78 : i32
    %mul3A_2 = arith.muli %arg1, %mul3A_1 : i32
    %add3A = arith.addi %mul3A_0, %mul3A_2 : i32
    %min3A = arith.constant 2 : i32
    %min3A_3 = arith.minsi %arg1, %min3A : i32
    %add3A_4 = arith.addi %add3A, %min3A_3 : i32
    %lt3A = arith.constant 2 : i32
    %lt3A_5 = arith.cmpi slt, %arg1, %lt3A : i32
    %convert_element_type3A = arith.extui %lt3A_5 : i1 to i32
    %add3A_6 = arith.constant 78 : i32
    %add3A_7 = arith.addi %add3A_6, %convert_element_type3A : i32
    %jit3A = arith.constant 8 : i32
    %div3A = arith.divsi %add3A_4, %jit3A : i32
    %sign3A = arith.constant 0 : i32
    %sign3A_8 = arith.cmpi sgt, %add3A_4, %sign3A : i32
    %sign3A_9 = arith.extui %sign3A_8 : i1 to i32
    %sign3A_10 = arith.constant 0 : i32
    %sign3A_11 = arith.cmpi slt, %add3A_4, %sign3A_10 : i32
    %sign3A_12 = arith.extui %sign3A_11 : i1 to i32
    %sign3A_13 = arith.subi %sign3A_9, %sign3A_12 : i32
    %sign3A_14 = arith.constant 0 : i32
    %sign3A_15 = arith.cmpi sgt, %jit3A, %sign3A_14 : i32
    %sign3A_16 = arith.extui %sign3A_15 : i1 to i32
    %sign3A_17 = arith.constant 0 : i32
    %sign3A_18 = arith.cmpi slt, %jit3A, %sign3A_17 : i32
    %sign3A_19 = arith.extui %sign3A_18 : i1 to i32
    %sign3A_20 = arith.subi %sign3A_16, %sign3A_19 : i32
    %ne3A = arith.cmpi ne, %sign3A_13, %sign3A_20 : i32
    %rem3A = arith.remsi %add3A_4, %jit3A : i32
    %ne3A_21 = arith.constant 0 : i32
    %ne3A_22 = arith.cmpi ne, %rem3A, %ne3A_21 : i32
    %and3A = arith.andi %ne3A, %ne3A_22 : i1
    %sub3A = arith.constant 1 : i32
    %sub3A_23 = arith.subi %div3A, %sub3A : i32
    %select_n3A = arith.select %and3A, %sub3A_23, %div3A : i32
    %mul3A_24 = arith.constant 8 : i32
    %mul3A_25 = arith.muli %select_n3A, %mul3A_24 : i32
    %multiple_of3A = tpu.assume_multiple %mul3A_25, 8 : i32
    %sub3A_26 = arith.subi %add3A_4, %multiple_of3A : i32
    %mul3A_27 = arith.constant 128 : i32
    %mul3A_28 = arith.muli %add3A_4, %mul3A_27 : i32
    %multiple_of3A_29 = tpu.assume_multiple %mul3A_28, 8 : i32
    %dma_start3A = arith.constant 0 : i32
    %dma_start3A_30 = tpu.memref_slice %arg2[%multiple_of3A_29, %dma_start3A] : memref<320000x128xf32, #tpu.memory_space<hbm>> -> memref<128x128xf32, #tpu.memory_space<hbm>>
    %dma_start3A_31 = arith.constant 0 : i32
    %dma_start3A_32 = tpu.memref_slice %arg2[%multiple_of3A_29, %dma_start3A_31] : memref<320000x128xf32, #tpu.memory_space<hbm>> -> memref<128x128xf32, #tpu.memory_space<hbm>>
    tpu.enqueue_dma source(%dma_start3A_32 : memref<128x128xf32, #tpu.memory_space<hbm>>) target(%arg5 : memref<128x128xf32, #tpu.memory_space<vmem>>) target_semaphore(%arg9 : memref<!tpu.dma_semaphore, #tpu.memory_space<semaphore_mem>>)
    %dma_start3A_33 = arith.constant 0 : i32
    %dma_start3A_34 = tpu.memref_slice %arg3[%multiple_of3A, %dma_start3A_33] : memref<2504x128xi32, #tpu.memory_space<hbm>> -> memref<88x128xi32, #tpu.memory_space<hbm>>
    %dma_start3A_35 = arith.constant 0 : i32
    %dma_start3A_36 = tpu.memref_slice %arg3[%multiple_of3A, %dma_start3A_35] : memref<2504x128xi32, #tpu.memory_space<hbm>> -> memref<88x128xi32, #tpu.memory_space<hbm>>
    tpu.enqueue_dma source(%dma_start3A_36 : memref<88x128xi32, #tpu.memory_space<hbm>>) target(%arg7 : memref<88x128xi32, #tpu.memory_space<vmem>>) target_semaphore(%arg10 : memref<!tpu.dma_semaphore, #tpu.memory_space<semaphore_mem>>)
    %scan3A = arith.constant 0 : i32
    %scan3A_37 = arith.constant 0 : i32
    %scan3A_38 = arith.constant 128 : i32
    %scan3A_39 = arith.addi %scan3A_37, %scan3A_38 : i32
    %scan3A_40 = arith.constant 1 : i32
    %scan3A_41 = scf.for %scan3A_109 = %scan3A_37 to %scan3A_39 step %scan3A_40 iter_args(%scan3A_110 = %scan3A) -> (i32)  : i32 {
      %broadcast_in_dim3A = arith.constant 0.000000e+00 : f32
      %broadcast_in_dim3A_111 = vector.broadcast %broadcast_in_dim3A : f32 to vector<16xf32>
      %swap3A = arith.index_cast %scan3A_109 : i32 to index
      %swap3A_112 = arith.constant 0 : index
      %swap3A_113 = tpu.vector_load %arg6[%swap3A, %swap3A_112] {strides = array<i32>} : memref<128x128xf32, #tpu.memory_space<vmem>>, vector<1x16xf32>,
      %swap3A_114 = vector.shape_cast %swap3A_113 : vector<1x16xf32> to vector<16xf32>
      %swap3A_115 = vector.shape_cast %broadcast_in_dim3A_111 : vector<16xf32> to vector<1x16xf32>
      tpu.vector_store %arg6[%swap3A, %swap3A_112], %swap3A_115 {strides = array<i32>} : memref<128x128xf32, #tpu.memory_space<vmem>>, vector<1x16xf32>,
      %broadcast_in_dim3A_116 = arith.constant 0.000000e+00 : f32
      %broadcast_in_dim3A_117 = vector.broadcast %broadcast_in_dim3A_116 : f32 to vector<16xf32>
      %swap3A_118 = arith.index_cast %scan3A_109 : i32 to index
      %swap3A_119 = arith.constant 16 : index
      %swap3A_120 = tpu.vector_load %arg6[%swap3A_118, %swap3A_119] {strides = array<i32>} : memref<128x128xf32, #tpu.memory_space<vmem>>, vector<1x16xf32>,
      %swap3A_121 = vector.shape_cast %swap3A_120 : vector<1x16xf32> to vector<16xf32>
      %swap3A_122 = vector.shape_cast %broadcast_in_dim3A_117 : vector<16xf32> to vector<1x16xf32>
      tpu.vector_store %arg6[%swap3A_118, %swap3A_119], %swap3A_122 {strides = array<i32>} : memref<128x128xf32, #tpu.memory_space<vmem>>, vector<1x16xf32>,
      %broadcast_in_dim3A_123 = arith.constant 0.000000e+00 : f32
      %broadcast_in_dim3A_124 = vector.broadcast %broadcast_in_dim3A_123 : f32 to vector<16xf32>
      %swap3A_125 = arith.index_cast %scan3A_109 : i32 to index
      %swap3A_126 = arith.constant 32 : index
      %swap3A_127 = tpu.vector_load %arg6[%swap3A_125, %swap3A_126] {strides = array<i32>} : memref<128x128xf32, #tpu.memory_space<vmem>>, vector<1x16xf32>,
      %swap3A_128 = vector.shape_cast %swap3A_127 : vector<1x16xf32> to vector<16xf32>
      %swap3A_129 = vector.shape_cast %broadcast_in_dim3A_124 : vector<16xf32> to vector<1x16xf32>
      tpu.vector_store %arg6[%swap3A_125, %swap3A_126], %swap3A_129 {strides = array<i32>} : memref<128x128xf32, #tpu.memory_space<vmem>>, vector<1x16xf32>,
      %broadcast_in_dim3A_130 = arith.constant 0.000000e+00 : f32
      %broadcast_in_dim3A_131 = vector.broadcast %broadcast_in_dim3A_130 : f32 to vector<16xf32>
      %swap3A_132 = arith.index_cast %scan3A_109 : i32 to index
      %swap3A_133 = arith.constant 48 : index
      %swap3A_134 = tpu.vector_load %arg6[%swap3A_132, %swap3A_133] {strides = array<i32>} : memref<128x128xf32, #tpu.memory_space<vmem>>, vector<1x16xf32>,
      %swap3A_135 = vector.shape_cast %swap3A_134 : vector<1x16xf32> to vector<16xf32>
      %swap3A_136 = vector.shape_cast %broadcast_in_dim3A_131 : vector<16xf32> to vector<1x16xf32>
      tpu.vector_store %arg6[%swap3A_132, %swap3A_133], %swap3A_136 {strides = array<i32>} : memref<128x128xf32, #tpu.memory_space<vmem>>, vector<1x16xf32>,
      %broadcast_in_dim3A_137 = arith.constant 0.000000e+00 : f32
      %broadcast_in_dim3A_138 = vector.broadcast %broadcast_in_dim3A_137 : f32 to vector<16xf32>
      %swap3A_139 = arith.index_cast %scan3A_109 : i32 to index
      %swap3A_140 = arith.constant 64 : index
      %swap3A_141 = tpu.vector_load %arg6[%swap3A_139, %swap3A_140] {strides = array<i32>} : memref<128x128xf32, #tpu.memory_space<vmem>>, vector<1x16xf32>,
      %swap3A_142 = vector.shape_cast %swap3A_141 : vector<1x16xf32> to vector<16xf32>
      %swap3A_143 = vector.shape_cast %broadcast_in_dim3A_138 : vector<16xf32> to vector<1x16xf32>
      tpu.vector_store %arg6[%swap3A_139, %swap3A_140], %swap3A_143 {strides = array<i32>} : memref<128x128xf32, #tpu.memory_space<vmem>>, vector<1x16xf32>,
      %broadcast_in_dim3A_144 = arith.constant 0.000000e+00 : f32
      %broadcast_in_dim3A_145 = vector.broadcast %broadcast_in_dim3A_144 : f32 to vector<16xf32>
      %swap3A_146 = arith.index_cast %scan3A_109 : i32 to index
      %swap3A_147 = arith.constant 80 : index
      %swap3A_148 = tpu.vector_load %arg6[%swap3A_146, %swap3A_147] {strides = array<i32>} : memref<128x128xf32, #tpu.memory_space<vmem>>, vector<1x16xf32>,
      %swap3A_149 = vector.shape_cast %swap3A_148 : vector<1x16xf32> to vector<16xf32>
      %swap3A_150 = vector.shape_cast %broadcast_in_dim3A_145 : vector<16xf32> to vector<1x16xf32>
      tpu.vector_store %arg6[%swap3A_146, %swap3A_147], %swap3A_150 {strides = array<i32>} : memref<128x128xf32, #tpu.memory_space<vmem>>, vector<1x16xf32>,
      %broadcast_in_dim3A_151 = arith.constant 0.000000e+00 : f32
      %broadcast_in_dim3A_152 = vector.broadcast %broadcast_in_dim3A_151 : f32 to vector<16xf32>
      %swap3A_153 = arith.index_cast %scan3A_109 : i32 to index
      %swap3A_154 = arith.constant 96 : index
      %swap3A_155 = tpu.vector_load %arg6[%swap3A_153, %swap3A_154] {strides = array<i32>} : memref<128x128xf32, #tpu.memory_space<vmem>>, vector<1x16xf32>,
      %swap3A_156 = vector.shape_cast %swap3A_155 : vector<1x16xf32> to vector<16xf32>
      %swap3A_157 = vector.shape_cast %broadcast_in_dim3A_152 : vector<16xf32> to vector<1x16xf32>
      tpu.vector_store %arg6[%swap3A_153, %swap3A_154], %swap3A_157 {strides = array<i32>} : memref<128x128xf32, #tpu.memory_space<vmem>>, vector<1x16xf32>,
      %broadcast_in_dim3A_158 = arith.constant 0.000000e+00 : f32
      %broadcast_in_dim3A_159 = vector.broadcast %broadcast_in_dim3A_158 : f32 to vector<16xf32>
      %swap3A_160 = arith.index_cast %scan3A_109 : i32 to index
      %swap3A_161 = arith.constant 112 : index
      %swap3A_162 = tpu.vector_load %arg6[%swap3A_160, %swap3A_161] {strides = array<i32>} : memref<128x128xf32, #tpu.memory_space<vmem>>, vector<1x16xf32>,
      %swap3A_163 = vector.shape_cast %swap3A_162 : vector<1x16xf32> to vector<16xf32>
      %swap3A_164 = vector.shape_cast %broadcast_in_dim3A_159 : vector<16xf32> to vector<1x16xf32>
      tpu.vector_store %arg6[%swap3A_160, %swap3A_161], %swap3A_164 {strides = array<i32>} : memref<128x128xf32, #tpu.memory_space<vmem>>, vector<1x16xf32>,
      %scan3A_165 = arith.constant 0 : i32
      scf.yield %scan3A_165 : i32
    }
    %scan3A_42 = arith.constant 128 : i32
    %mul3A_43 = arith.constant 624 : i32
    %mul3A_44 = arith.muli %arg1, %mul3A_43 : i32
    %add3A_45 = arith.constant 0 : i32
    %add3A_46 = arith.addi %mul3A_44, %add3A_45 : i32
    "tpu.region"() ({
      %run_scoped3A = tpu.sem_alloc : memref<!tpu.dma_semaphore, #tpu.memory_space<semaphore_mem>>
      %dma_start3A_109 = arith.constant 0 : i32
      %dma_start3A_110 = tpu.memref_slice %arg8[%add3A_46, %dma_start3A_109] : memref<10000x128xf32, #tpu.memory_space<vmem_shared>> -> memref<128x128xf32, #tpu.memory_space<vmem_shared>>
      %dma_start3A_111 = arith.constant 0 : i32
      %dma_start3A_112 = tpu.memref_slice %arg8[%add3A_46, %dma_start3A_111] : memref<10000x128xf32, #tpu.memory_space<vmem_shared>> -> memref<128x128xf32, #tpu.memory_space<vmem_shared>>
      tpu.enqueue_dma source(%arg6 : memref<128x128xf32, #tpu.memory_space<vmem>>) target(%dma_start3A_112 : memref<128x128xf32, #tpu.memory_space<vmem_shared>>) target_semaphore(%run_scoped3A : memref<!tpu.dma_semaphore, #tpu.memory_space<semaphore_mem>>)
      %dma_wait3A_113 = arith.constant 0 : i32
      %dma_wait3A_114 = tpu.memref_slice %arg8[%add3A_46, %dma_wait3A_113] : memref<10000x128xf32, #tpu.memory_space<vmem_shared>> -> memref<128x128xf32, #tpu.memory_space<vmem_shared>>
      %dma_wait3A_115 = arith.constant 0 : i32
      %dma_wait3A_116 = tpu.memref_slice %arg8[%add3A_46, %dma_wait3A_115] : memref<10000x128xf32, #tpu.memory_space<vmem_shared>> -> memref<128x128xf32, #tpu.memory_space<vmem_shared>>
      tpu.wait_dma2 semaphore(%run_scoped3A : memref<!tpu.dma_semaphore, #tpu.memory_space<semaphore_mem>>) src(%arg6 : memref<128x128xf32, #tpu.memory_space<vmem>>) dst(%dma_wait3A_116 : memref<128x128xf32, #tpu.memory_space<vmem_shared>>)
      tpu.yield
    }) : () -> ()
    %add3A_47 = arith.constant 128 : i32
    %add3A_48 = arith.addi %mul3A_44, %add3A_47 : i32
    "tpu.region"() ({
      %run_scoped3A = tpu.sem_alloc : memref<!tpu.dma_semaphore, #tpu.memory_space<semaphore_mem>>
      %dma_start3A_109 = arith.constant 0 : i32
      %dma_start3A_110 = tpu.memref_slice %arg8[%add3A_48, %dma_start3A_109] : memref<10000x128xf32, #tpu.memory_space<vmem_shared>> -> memref<128x128xf32, #tpu.memory_space<vmem_shared>>
      %dma_start3A_111 = arith.constant 0 : i32
      %dma_start3A_112 = tpu.memref_slice %arg8[%add3A_48, %dma_start3A_111] : memref<10000x128xf32, #tpu.memory_space<vmem_shared>> -> memref<128x128xf32, #tpu.memory_space<vmem_shared>>
      tpu.enqueue_dma source(%arg6 : memref<128x128xf32, #tpu.memory_space<vmem>>) target(%dma_start3A_112 : memref<128x128xf32, #tpu.memory_space<vmem_shared>>) target_semaphore(%run_scoped3A : memref<!tpu.dma_semaphore, #tpu.memory_space<semaphore_mem>>)
      %dma_wait3A_113 = arith.constant 0 : i32
      %dma_wait3A_114 = tpu.memref_slice %arg8[%add3A_48, %dma_wait3A_113] : memref<10000x128xf32, #tpu.memory_space<vmem_shared>> -> memref<128x128xf32, #tpu.memory_space<vmem_shared>>
      %dma_wait3A_115 = arith.constant 0 : i32
      %dma_wait3A_116 = tpu.memref_slice %arg8[%add3A_48, %dma_wait3A_115] : memref<10000x128xf32, #tpu.memory_space<vmem_shared>> -> memref<128x128xf32, #tpu.memory_space<vmem_shared>>
      tpu.wait_dma2 semaphore(%run_scoped3A : memref<!tpu.dma_semaphore, #tpu.memory_space<semaphore_mem>>) src(%arg6 : memref<128x128xf32, #tpu.memory_space<vmem>>) dst(%dma_wait3A_116 : memref<128x128xf32, #tpu.memory_space<vmem_shared>>)
      tpu.yield
    }) : () -> ()
    %add3A_49 = arith.constant 256 : i32
    %add3A_50 = arith.addi %mul3A_44, %add3A_49 : i32
    "tpu.region"() ({
      %run_scoped3A = tpu.sem_alloc : memref<!tpu.dma_semaphore, #tpu.memory_space<semaphore_mem>>
      %dma_start3A_109 = arith.constant 0 : i32
      %dma_start3A_110 = tpu.memref_slice %arg8[%add3A_50, %dma_start3A_109] : memref<10000x128xf32, #tpu.memory_space<vmem_shared>> -> memref<128x128xf32, #tpu.memory_space<vmem_shared>>
      %dma_start3A_111 = arith.constant 0 : i32
      %dma_start3A_112 = tpu.memref_slice %arg8[%add3A_50, %dma_start3A_111] : memref<10000x128xf32, #tpu.memory_space<vmem_shared>> -> memref<128x128xf32, #tpu.memory_space<vmem_shared>>
      tpu.enqueue_dma source(%arg6 : memref<128x128xf32, #tpu.memory_space<vmem>>) target(%dma_start3A_112 : memref<128x128xf32, #tpu.memory_space<vmem_shared>>) target_semaphore(%run_scoped3A : memref<!tpu.dma_semaphore, #tpu.memory_space<semaphore_mem>>)
      %dma_wait3A_113 = arith.constant 0 : i32
      %dma_wait3A_114 = tpu.memref_slice %arg8[%add3A_50, %dma_wait3A_113] : memref<10000x128xf32, #tpu.memory_space<vmem_shared>> -> memref<128x128xf32, #tpu.memory_space<vmem_shared>>
      %dma_wait3A_115 = arith.constant 0 : i32
      %dma_wait3A_116 = tpu.memref_slice %arg8[%add3A_50, %dma_wait3A_115] : memref<10000x128xf32, #tpu.memory_space<vmem_shared>> -> memref<128x128xf32, #tpu.memory_space<vmem_shared>>
      tpu.wait_dma2 semaphore(%run_scoped3A : memref<!tpu.dma_semaphore, #tpu.memory_space<semaphore_mem>>) src(%arg6 : memref<128x128xf32, #tpu.memory_space<vmem>>) dst(%dma_wait3A_116 : memref<128x128xf32, #tpu.memory_space<vmem_shared>>)
      tpu.yield
    }) : () -> ()
    %add3A_51 = arith.constant 384 : i32
    %add3A_52 = arith.addi %mul3A_44, %add3A_51 : i32
    "tpu.region"() ({
      %run_scoped3A = tpu.sem_alloc : memref<!tpu.dma_semaphore, #tpu.memory_space<semaphore_mem>>
      %dma_start3A_109 = arith.constant 0 : i32
      %dma_start3A_110 = tpu.memref_slice %arg8[%add3A_52, %dma_start3A_109] : memref<10000x128xf32, #tpu.memory_space<vmem_shared>> -> memref<128x128xf32, #tpu.memory_space<vmem_shared>>
      %dma_start3A_111 = arith.constant 0 : i32
      %dma_start3A_112 = tpu.memref_slice %arg8[%add3A_52, %dma_start3A_111] : memref<10000x128xf32, #tpu.memory_space<vmem_shared>> -> memref<128x128xf32, #tpu.memory_space<vmem_shared>>
      tpu.enqueue_dma source(%arg6 : memref<128x128xf32, #tpu.memory_space<vmem>>) target(%dma_start3A_112 : memref<128x128xf32, #tpu.memory_space<vmem_shared>>) target_semaphore(%run_scoped3A : memref<!tpu.dma_semaphore, #tpu.memory_space<semaphore_mem>>)
      %dma_wait3A_113 = arith.constant 0 : i32
      %dma_wait3A_114 = tpu.memref_slice %arg8[%add3A_52, %dma_wait3A_113] : memref<10000x128xf32, #tpu.memory_space<vmem_shared>> -> memref<128x128xf32, #tpu.memory_space<vmem_shared>>
      %dma_wait3A_115 = arith.constant 0 : i32
      %dma_wait3A_116 = tpu.memref_slice %arg8[%add3A_52, %dma_wait3A_115] : memref<10000x128xf32, #tpu.memory_space<vmem_shared>> -> memref<128x128xf32, #tpu.memory_space<vmem_shared>>
      tpu.wait_dma2 semaphore(%run_scoped3A : memref<!tpu.dma_semaphore, #tpu.memory_space<semaphore_mem>>) src(%arg6 : memref<128x128xf32, #tpu.memory_space<vmem>>) dst(%dma_wait3A_116 : memref<128x128xf32, #tpu.memory_space<vmem_shared>>)
      tpu.yield
    }) : () -> ()
    %add3A_53 = arith.constant 624 : i32
    %add3A_54 = arith.addi %mul3A_44, %add3A_53 : i32
    %sub3A_55 = arith.constant 112 : i32
    %sub3A_56 = arith.subi %add3A_54, %sub3A_55 : i32
    "tpu.region"() ({
      %run_scoped3A = tpu.sem_alloc : memref<!tpu.dma_semaphore, #tpu.memory_space<semaphore_mem>>
      %dma_start3A_109 = arith.constant 0 : i32
      %dma_start3A_110 = arith.constant 0 : i32
      %dma_start3A_111 = tpu.memref_slice %arg6[%dma_start3A_109, %dma_start3A_110] : memref<128x128xf32, #tpu.memory_space<vmem>> -> memref<112x128xf32, #tpu.memory_space<vmem>>
      %dma_start3A_112 = arith.constant 0 : i32
      %dma_start3A_113 = tpu.memref_slice %arg8[%sub3A_56, %dma_start3A_112] : memref<10000x128xf32, #tpu.memory_space<vmem_shared>> -> memref<112x128xf32, #tpu.memory_space<vmem_shared>>
      %dma_start3A_114 = arith.constant 0 : i32
      %dma_start3A_115 = tpu.memref_slice %arg8[%sub3A_56, %dma_start3A_114] : memref<10000x128xf32, #tpu.memory_space<vmem_shared>> -> memref<112x128xf32, #tpu.memory_space<vmem_shared>>
      %dma_start3A_116 = arith.constant 0 : i32
      %dma_start3A_117 = arith.constant 0 : i32
      %dma_start3A_118 = tpu.memref_slice %arg6[%dma_start3A_116, %dma_start3A_117] : memref<128x128xf32, #tpu.memory_space<vmem>> -> memref<112x128xf32, #tpu.memory_space<vmem>>
      tpu.enqueue_dma source(%dma_start3A_118 : memref<112x128xf32, #tpu.memory_space<vmem>>) target(%dma_start3A_115 : memref<112x128xf32, #tpu.memory_space<vmem_shared>>) target_semaphore(%run_scoped3A : memref<!tpu.dma_semaphore, #tpu.memory_space<semaphore_mem>>)
      %dma_wait3A_119 = arith.constant 0 : i32
      %dma_wait3A_120 = arith.constant 0 : i32
      %dma_wait3A_121 = tpu.memref_slice %arg6[%dma_wait3A_119, %dma_wait3A_120] : memref<128x128xf32, #tpu.memory_space<vmem>> -> memref<112x128xf32, #tpu.memory_space<vmem>>
      %dma_wait3A_122 = arith.constant 0 : i32
      %dma_wait3A_123 = tpu.memref_slice %arg8[%sub3A_56, %dma_wait3A_122] : memref<10000x128xf32, #tpu.memory_space<vmem_shared>> -> memref<112x128xf32, #tpu.memory_space<vmem_shared>>
      %dma_wait3A_124 = arith.constant 0 : i32
      %dma_wait3A_125 = tpu.memref_slice %arg8[%sub3A_56, %dma_wait3A_124] : memref<10000x128xf32, #tpu.memory_space<vmem_shared>> -> memref<112x128xf32, #tpu.memory_space<vmem_shared>>
      %dma_wait3A_126 = arith.constant 0 : i32
      %dma_wait3A_127 = arith.constant 0 : i32
      %dma_wait3A_128 = tpu.memref_slice %arg6[%dma_wait3A_126, %dma_wait3A_127] : memref<128x128xf32, #tpu.memory_space<vmem>> -> memref<112x128xf32, #tpu.memory_space<vmem>>
      tpu.wait_dma2 semaphore(%run_scoped3A : memref<!tpu.dma_semaphore, #tpu.memory_space<semaphore_mem>>) src(%dma_wait3A_128 : memref<112x128xf32, #tpu.memory_space<vmem>>) dst(%dma_wait3A_125 : memref<112x128xf32, #tpu.memory_space<vmem_shared>>)
      tpu.yield
    }) : () -> ()
    %eq3A = arith.constant 15 : i32
    %eq3A_57 = arith.cmpi eq, %arg1, %eq3A : i32
    %convert_element_type3A_58 = arith.extui %eq3A_57 : i1 to i32
    %cond3A = arith.constant 0 : i32
    %cond3A_59 = arith.cmpi ne, %convert_element_type3A_58, %cond3A : i32
    scf.if %cond3A_59 {
      "tpu.region"() ({
        %run_scoped3A = tpu.sem_alloc : memref<!tpu.dma_semaphore, #tpu.memory_space<semaphore_mem>>
        %dma_start3A_109 = arith.constant 0 : i32
        %dma_start3A_110 = arith.constant 0 : i32
        %dma_start3A_111 = tpu.memref_slice %arg6[%dma_start3A_109, %dma_start3A_110] : memref<128x128xf32, #tpu.memory_space<vmem>> -> memref<16x128xf32, #tpu.memory_space<vmem>>
        %dma_start3A_112 = arith.constant 9984 : i32
        %dma_start3A_113 = arith.constant 0 : i32
        %dma_start3A_114 = tpu.memref_slice %arg8[%dma_start3A_112, %dma_start3A_113] : memref<10000x128xf32, #tpu.memory_space<vmem_shared>> -> memref<16x128xf32, #tpu.memory_space<vmem_shared>>
        %dma_start3A_115 = arith.constant 9984 : i32
        %dma_start3A_116 = arith.constant 0 : i32
        %dma_start3A_117 = tpu.memref_slice %arg8[%dma_start3A_115, %dma_start3A_116] : memref<10000x128xf32, #tpu.memory_space<vmem_shared>> -> memref<16x128xf32, #tpu.memory_space<vmem_shared>>
        %dma_start3A_118 = arith.constant 0 : i32
        %dma_start3A_119 = arith.constant 0 : i32
        %dma_start3A_120 = tpu.memref_slice %arg6[%dma_start3A_118, %dma_start3A_119] : memref<128x128xf32, #tpu.memory_space<vmem>> -> memref<16x128xf32, #tpu.memory_space<vmem>>
        tpu.enqueue_dma source(%dma_start3A_120 : memref<16x128xf32, #tpu.memory_space<vmem>>) target(%dma_start3A_117 : memref<16x128xf32, #tpu.memory_space<vmem_shared>>) target_semaphore(%run_scoped3A : memref<!tpu.dma_semaphore, #tpu.memory_space<semaphore_mem>>)
        %dma_wait3A_121 = arith.constant 0 : i32
        %dma_wait3A_122 = arith.constant 0 : i32
        %dma_wait3A_123 = tpu.memref_slice %arg6[%dma_wait3A_121, %dma_wait3A_122] : memref<128x128xf32, #tpu.memory_space<vmem>> -> memref<16x128xf32, #tpu.memory_space<vmem>>
        %dma_wait3A_124 = arith.constant 9984 : i32
        %dma_wait3A_125 = arith.constant 0 : i32
        %dma_wait3A_126 = tpu.memref_slice %arg8[%dma_wait3A_124, %dma_wait3A_125] : memref<10000x128xf32, #tpu.memory_space<vmem_shared>> -> memref<16x128xf32, #tpu.memory_space<vmem_shared>>
        %dma_wait3A_127 = arith.constant 9984 : i32
        %dma_wait3A_128 = arith.constant 0 : i32
        %dma_wait3A_129 = tpu.memref_slice %arg8[%dma_wait3A_127, %dma_wait3A_128] : memref<10000x128xf32, #tpu.memory_space<vmem_shared>> -> memref<16x128xf32, #tpu.memory_space<vmem_shared>>
        %dma_wait3A_130 = arith.constant 0 : i32
        %dma_wait3A_131 = arith.constant 0 : i32
        %dma_wait3A_132 = tpu.memref_slice %arg6[%dma_wait3A_130, %dma_wait3A_131] : memref<128x128xf32, #tpu.memory_space<vmem>> -> memref<16x128xf32, #tpu.memory_space<vmem>>
        tpu.wait_dma2 semaphore(%run_scoped3A : memref<!tpu.dma_semaphore, #tpu.memory_space<semaphore_mem>>) src(%dma_wait3A_132 : memref<16x128xf32, #tpu.memory_space<vmem>>) dst(%dma_wait3A_129 : memref<16x128xf32, #tpu.memory_space<vmem_shared>>)
        tpu.yield
      }) : () -> ()
    } else {
    }
    %dma_wait3A = arith.constant 0 : i32
    %dma_wait3A_60 = arith.constant 0 : i32
    %dma_wait3A_61 = tpu.memref_slice %arg3[%dma_wait3A, %dma_wait3A_60] : memref<2504x128xi32, #tpu.memory_space<hbm>> -> memref<88x128xi32, #tpu.memory_space<hbm>>
    %dma_wait3A_62 = arith.constant 0 : i32
    %dma_wait3A_63 = arith.constant 0 : i32
    %dma_wait3A_64 = tpu.memref_slice %arg3[%dma_wait3A_62, %dma_wait3A_63] : memref<2504x128xi32, #tpu.memory_space<hbm>> -> memref<88x128xi32, #tpu.memory_space<hbm>>
    tpu.wait_dma2 semaphore(%arg10 : memref<!tpu.dma_semaphore, #tpu.memory_space<semaphore_mem>>) src(%dma_wait3A_64 : memref<88x128xi32, #tpu.memory_space<hbm>>) dst(%arg7 : memref<88x128xi32, #tpu.memory_space<vmem>>)
    %barrier3A = arith.constant 0 : index
    tpu.barrier barrier_id(%barrier3A)
    %add3A_65 = arith.constant 1 : i32
    %add3A_66 = arith.addi %add3A_4, %add3A_65 : i32
    %min3A_67 = arith.constant 2499 : i32
    %min3A_68 = arith.minsi %add3A_66, %min3A_67 : i32
    %mul3A_69 = arith.constant 128 : i32
    %mul3A_70 = arith.muli %min3A_68, %mul3A_69 : i32
    %multiple_of3A_71 = tpu.assume_multiple %mul3A_70, 8 : i32
    %dma_start3A_72 = arith.constant 0 : i32
    %dma_start3A_73 = tpu.memref_slice %arg2[%multiple_of3A_71, %dma_start3A_72] : memref<320000x128xf32, #tpu.memory_space<hbm>> -> memref<128x128xf32, #tpu.memory_space<hbm>>
    %dma_start3A_74 = arith.constant 0 : i32
    %dma_start3A_75 = tpu.memref_slice %arg2[%multiple_of3A_71, %dma_start3A_74] : memref<320000x128xf32, #tpu.memory_space<hbm>> -> memref<128x128xf32, #tpu.memory_space<hbm>>
    tpu.enqueue_dma source(%dma_start3A_75 : memref<128x128xf32, #tpu.memory_space<hbm>>) target(%arg6 : memref<128x128xf32, #tpu.memory_space<vmem>>) target_semaphore(%arg10 : memref<!tpu.dma_semaphore, #tpu.memory_space<semaphore_mem>>)
    %scan3A_76 = arith.constant 0 : i32
    %scan3A_77 = arith.constant 0 : i32
    %scan3A_78 = arith.constant 39 : i32
    %scan3A_79 = arith.addi %scan3A_77, %scan3A_78 : i32
    %scan3A_80 = arith.constant 1 : i32
    %scan3A_81 = scf.for %scan3A_109 = %scan3A_77 to %scan3A_79 step %scan3A_80 iter_args(%scan3A_110 = %scan3A_76) -> (i32)  : i32 {
      %mul3A_111 = arith.constant 2 : i32
      %mul3A_112 = arith.muli %mul3A_111, %scan3A_109 : i32
      %dma_wait3A_113 = arith.constant 0 : i32
      %dma_wait3A_114 = arith.constant 0 : i32
      %dma_wait3A_115 = tpu.memref_slice %arg2[%dma_wait3A_113, %dma_wait3A_114] : memref<320000x128xf32, #tpu.memory_space<hbm>> -> memref<128x128xf32, #tpu.memory_space<hbm>>
      %dma_wait3A_116 = arith.constant 0 : i32
      %dma_wait3A_117 = arith.constant 0 : i32
      %dma_wait3A_118 = tpu.memref_slice %arg2[%dma_wait3A_116, %dma_wait3A_117] : memref<320000x128xf32, #tpu.memory_space<hbm>> -> memref<128x128xf32, #tpu.memory_space<hbm>>
      tpu.wait_dma2 semaphore(%arg9 : memref<!tpu.dma_semaphore, #tpu.memory_space<semaphore_mem>>) src(%dma_wait3A_118 : memref<128x128xf32, #tpu.memory_space<hbm>>) dst(%arg5 : memref<128x128xf32, #tpu.memory_space<vmem>>)
      %add3A_119 = arith.addi %sub3A_26, %mul3A_112 : i32
      "tpu.region"() ({
        %run_scoped3A = tpu.sem_alloc : memref<!tpu.dma_semaphore, #tpu.memory_space<semaphore_mem>>
        %dma_start3A_154 = arith.constant 0 : i32
        %dma_start3A_155 = tpu.memref_slice %arg7[%add3A_119, %dma_start3A_154] : memref<88x128xi32, #tpu.memory_space<vmem>> -> memref<1x128xi32, #tpu.memory_space<vmem>>
        %dma_start3A_156 = tpu.memref_squeeze %dma_start3A_155 : memref<1x128xi32, #tpu.memory_space<vmem>> -> memref<128xi32, #tpu.memory_space<vmem>>
        %dma_start3A_157 = arith.constant 0 : i32
        %dma_start3A_158 = arith.constant 0 : i32
        %dma_start3A_159 = tpu.memref_slice %arg8[%dma_start3A_157, %dma_start3A_158] : memref<10000x128xf32, #tpu.memory_space<vmem_shared>> -> memref<10000x128xf32, #tpu.memory_space<vmem_shared>>
        tpu.enqueue_indirect_dma source(%arg5 : memref<128x128xf32, #tpu.memory_space<vmem>>) target(%dma_start3A_159 : memref<10000x128xf32, #tpu.memory_space<vmem_shared>>) offsets(%dma_start3A_156 : memref<128xi32, #tpu.memory_space<vmem>>) semaphore(%run_scoped3A : memref<!tpu.dma_semaphore, #tpu.memory_space<semaphore_mem>>) {add = true}
        %dma_wait3A_160 = arith.constant 0 : i32
        %dma_wait3A_161 = tpu.memref_slice %arg7[%add3A_119, %dma_wait3A_160] : memref<88x128xi32, #tpu.memory_space<vmem>> -> memref<1x128xi32, #tpu.memory_space<vmem>>
        %dma_wait3A_162 = tpu.memref_squeeze %dma_wait3A_161 : memref<1x128xi32, #tpu.memory_space<vmem>> -> memref<128xi32, #tpu.memory_space<vmem>>
        %dma_wait3A_163 = arith.constant 0 : i32
        %dma_wait3A_164 = arith.constant 0 : i32
        %dma_wait3A_165 = tpu.memref_slice %arg8[%dma_wait3A_163, %dma_wait3A_164] : memref<10000x128xf32, #tpu.memory_space<vmem_shared>> -> memref<10000x128xf32, #tpu.memory_space<vmem_shared>>
        tpu.wait_indirect_dma semaphore(%run_scoped3A : memref<!tpu.dma_semaphore, #tpu.memory_space<semaphore_mem>>) src(%arg5 : memref<128x128xf32, #tpu.memory_space<vmem>>) dst(%dma_wait3A_165 : memref<10000x128xf32, #tpu.memory_space<vmem_shared>>)
        tpu.yield
      }) : () -> ()
      %add3A_120 = arith.addi %add3A_4, %mul3A_112 : i32
      %add3A_121 = arith.constant 2 : i32
      %add3A_122 = arith.addi %add3A_120, %add3A_121 : i32
      %min3A_123 = arith.constant 2499 : i32
      %min3A_124 = arith.minsi %add3A_122, %min3A_123 : i32
      %mul3A_125 = arith.constant 128 : i32
      %mul3A_126 = arith.muli %min3A_124, %mul3A_125 : i32
      %multiple_of3A_127 = tpu.assume_multiple %mul3A_126, 8 : i32
      %dma_start3A_128 = arith.constant 0 : i32
      %dma_start3A_129 = tpu.memref_slice %arg2[%multiple_of3A_127, %dma_start3A_128] : memref<320000x128xf32, #tpu.memory_space<hbm>> -> memref<128x128xf32, #tpu.memory_space<hbm>>
      %dma_start3A_130 = arith.constant 0 : i32
      %dma_start3A_131 = tpu.memref_slice %arg2[%multiple_of3A_127, %dma_start3A_130] : memref<320000x128xf32, #tpu.memory_space<hbm>> -> memref<128x128xf32, #tpu.memory_space<hbm>>
      tpu.enqueue_dma source(%dma_start3A_131 : memref<128x128xf32, #tpu.memory_space<hbm>>) target(%arg5 : memref<128x128xf32, #tpu.memory_space<vmem>>) target_semaphore(%arg9 : memref<!tpu.dma_semaphore, #tpu.memory_space<semaphore_mem>>)
      %dma_wait3A_132 = arith.constant 0 : i32
      %dma_wait3A_133 = arith.constant 0 : i32
      %dma_wait3A_134 = tpu.memref_slice %arg2[%dma_wait3A_132, %dma_wait3A_133] : memref<320000x128xf32, #tpu.memory_space<hbm>> -> memref<128x128xf32, #tpu.memory_space<hbm>>
      %dma_wait3A_135 = arith.constant 0 : i32
      %dma_wait3A_136 = arith.constant 0 : i32
      %dma_wait3A_137 = tpu.memref_slice %arg2[%dma_wait3A_135, %dma_wait3A_136] : memref<320000x128xf32, #tpu.memory_space<hbm>> -> memref<128x128xf32, #tpu.memory_space<hbm>>
      tpu.wait_dma2 semaphore(%arg10 : memref<!tpu.dma_semaphore, #tpu.memory_space<semaphore_mem>>) src(%dma_wait3A_137 : memref<128x128xf32, #tpu.memory_space<hbm>>) dst(%arg6 : memref<128x128xf32, #tpu.memory_space<vmem>>)
      %add3A_138 = arith.addi %sub3A_26, %mul3A_112 : i32
      %add3A_139 = arith.constant 1 : i32
      %add3A_140 = arith.addi %add3A_138, %add3A_139 : i32
      "tpu.region"() ({
        %run_scoped3A = tpu.sem_alloc : memref<!tpu.dma_semaphore, #tpu.memory_space<semaphore_mem>>
        %dma_start3A_154 = arith.constant 0 : i32
        %dma_start3A_155 = tpu.memref_slice %arg7[%add3A_140, %dma_start3A_154] : memref<88x128xi32, #tpu.memory_space<vmem>> -> memref<1x128xi32, #tpu.memory_space<vmem>>
        %dma_start3A_156 = tpu.memref_squeeze %dma_start3A_155 : memref<1x128xi32, #tpu.memory_space<vmem>> -> memref<128xi32, #tpu.memory_space<vmem>>
        %dma_start3A_157 = arith.constant 0 : i32
        %dma_start3A_158 = arith.constant 0 : i32
        %dma_start3A_159 = tpu.memref_slice %arg8[%dma_start3A_157, %dma_start3A_158] : memref<10000x128xf32, #tpu.memory_space<vmem_shared>> -> memref<10000x128xf32, #tpu.memory_space<vmem_shared>>
        tpu.enqueue_indirect_dma source(%arg6 : memref<128x128xf32, #tpu.memory_space<vmem>>) target(%dma_start3A_159 : memref<10000x128xf32, #tpu.memory_space<vmem_shared>>) offsets(%dma_start3A_156 : memref<128xi32, #tpu.memory_space<vmem>>) semaphore(%run_scoped3A : memref<!tpu.dma_semaphore, #tpu.memory_space<semaphore_mem>>) {add = true}
        %dma_wait3A_160 = arith.constant 0 : i32
        %dma_wait3A_161 = tpu.memref_slice %arg7[%add3A_140, %dma_wait3A_160] : memref<88x128xi32, #tpu.memory_space<vmem>> -> memref<1x128xi32, #tpu.memory_space<vmem>>
        %dma_wait3A_162 = tpu.memref_squeeze %dma_wait3A_161 : memref<1x128xi32, #tpu.memory_space<vmem>> -> memref<128xi32, #tpu.memory_space<vmem>>
        %dma_wait3A_163 = arith.constant 0 : i32
        %dma_wait3A_164 = arith.constant 0 : i32
        %dma_wait3A_165 = tpu.memref_slice %arg8[%dma_wait3A_163, %dma_wait3A_164] : memref<10000x128xf32, #tpu.memory_space<vmem_shared>> -> memref<10000x128xf32, #tpu.memory_space<vmem_shared>>
        tpu.wait_indirect_dma semaphore(%run_scoped3A : memref<!tpu.dma_semaphore, #tpu.memory_space<semaphore_mem>>) src(%arg6 : memref<128x128xf32, #tpu.memory_space<vmem>>) dst(%dma_wait3A_165 : memref<10000x128xf32, #tpu.memory_space<vmem_shared>>)
        tpu.yield
      }) : () -> ()
      %add3A_141 = arith.addi %add3A_4, %mul3A_112 : i32
      %add3A_142 = arith.constant 3 : i32
      %add3A_143 = arith.addi %add3A_141, %add3A_142 : i32
      %min3A_144 = arith.constant 2499 : i32
      %min3A_145 = arith.minsi %add3A_143, %min3A_144 : i32
      %mul3A_146 = arith.constant 128 : i32
      %mul3A_147 = arith.muli %min3A_145, %mul3A_146 : i32
      %multiple_of3A_148 = tpu.assume_multiple %mul3A_147, 8 : i32
      %dma_start3A_149 = arith.constant 0 : i32
      %dma_start3A_150 = tpu.memref_slice %arg2[%multiple_of3A_148, %dma_start3A_149] : memref<320000x128xf32, #tpu.memory_space<hbm>> -> memref<128x128xf32, #tpu.memory_space<hbm>>
      %dma_start3A_151 = arith.constant 0 : i32
      %dma_start3A_152 = tpu.memref_slice %arg2[%multiple_of3A_148, %dma_start3A_151] : memref<320000x128xf32, #tpu.memory_space<hbm>> -> memref<128x128xf32, #tpu.memory_space<hbm>>
      tpu.enqueue_dma source(%dma_start3A_152 : memref<128x128xf32, #tpu.memory_space<hbm>>) target(%arg6 : memref<128x128xf32, #tpu.memory_space<vmem>>) target_semaphore(%arg10 : memref<!tpu.dma_semaphore, #tpu.memory_space<semaphore_mem>>)
      %scan3A_153 = arith.constant 0 : i32
      scf.yield %scan3A_153 : i32
    }
    %scan3A_82 = arith.constant 39 : i32
    %dma_wait3A_83 = arith.constant 0 : i32
    %dma_wait3A_84 = arith.constant 0 : i32
    %dma_wait3A_85 = tpu.memref_slice %arg2[%dma_wait3A_83, %dma_wait3A_84] : memref<320000x128xf32, #tpu.memory_space<hbm>> -> memref<128x128xf32, #tpu.memory_space<hbm>>
    %dma_wait3A_86 = arith.constant 0 : i32
    %dma_wait3A_87 = arith.constant 0 : i32
    %dma_wait3A_88 = tpu.memref_slice %arg2[%dma_wait3A_86, %dma_wait3A_87] : memref<320000x128xf32, #tpu.memory_space<hbm>> -> memref<128x128xf32, #tpu.memory_space<hbm>>
    tpu.wait_dma2 semaphore(%arg9 : memref<!tpu.dma_semaphore, #tpu.memory_space<semaphore_mem>>) src(%dma_wait3A_88 : memref<128x128xf32, #tpu.memory_space<hbm>>) dst(%arg5 : memref<128x128xf32, #tpu.memory_space<vmem>>)
    %dma_wait3A_89 = arith.constant 0 : i32
    %dma_wait3A_90 = arith.constant 0 : i32
    %dma_wait3A_91 = tpu.memref_slice %arg2[%dma_wait3A_89, %dma_wait3A_90] : memref<320000x128xf32, #tpu.memory_space<hbm>> -> memref<128x128xf32, #tpu.memory_space<hbm>>
    %dma_wait3A_92 = arith.constant 0 : i32
    %dma_wait3A_93 = arith.constant 0 : i32
    %dma_wait3A_94 = tpu.memref_slice %arg2[%dma_wait3A_92, %dma_wait3A_93] : memref<320000x128xf32, #tpu.memory_space<hbm>> -> memref<128x128xf32, #tpu.memory_space<hbm>>
    tpu.wait_dma2 semaphore(%arg10 : memref<!tpu.dma_semaphore, #tpu.memory_space<semaphore_mem>>) src(%dma_wait3A_94 : memref<128x128xf32, #tpu.memory_space<hbm>>) dst(%arg6 : memref<128x128xf32, #tpu.memory_space<vmem>>)
    %lt3A_95 = arith.constant 2 : i32
    %lt3A_96 = arith.cmpi slt, %arg1, %lt3A_95 : i32
    %convert_element_type3A_97 = arith.extui %lt3A_96 : i1 to i32
    %cond3A_98 = arith.constant 0 : i32
    %cond3A_99 = arith.cmpi ne, %convert_element_type3A_97, %cond3A_98 : i32
    scf.if %cond3A_99 {
      %add3A_109 = arith.constant 78 : i32
      %add3A_110 = arith.addi %sub3A_26, %add3A_109 : i32
      "tpu.region"() ({
        %run_scoped3A = tpu.sem_alloc : memref<!tpu.dma_semaphore, #tpu.memory_space<semaphore_mem>>
        %dma_start3A_111 = arith.constant 0 : i32
        %dma_start3A_112 = tpu.memref_slice %arg7[%add3A_110, %dma_start3A_111] : memref<88x128xi32, #tpu.memory_space<vmem>> -> memref<1x128xi32, #tpu.memory_space<vmem>>
        %dma_start3A_113 = tpu.memref_squeeze %dma_start3A_112 : memref<1x128xi32, #tpu.memory_space<vmem>> -> memref<128xi32, #tpu.memory_space<vmem>>
        %dma_start3A_114 = arith.constant 0 : i32
        %dma_start3A_115 = arith.constant 0 : i32
        %dma_start3A_116 = tpu.memref_slice %arg8[%dma_start3A_114, %dma_start3A_115] : memref<10000x128xf32, #tpu.memory_space<vmem_shared>> -> memref<10000x128xf32, #tpu.memory_space<vmem_shared>>
        tpu.enqueue_indirect_dma source(%arg5 : memref<128x128xf32, #tpu.memory_space<vmem>>) target(%dma_start3A_116 : memref<10000x128xf32, #tpu.memory_space<vmem_shared>>) offsets(%dma_start3A_113 : memref<128xi32, #tpu.memory_space<vmem>>) semaphore(%run_scoped3A : memref<!tpu.dma_semaphore, #tpu.memory_space<semaphore_mem>>) {add = true}
        %dma_wait3A_117 = arith.constant 0 : i32
        %dma_wait3A_118 = tpu.memref_slice %arg7[%add3A_110, %dma_wait3A_117] : memref<88x128xi32, #tpu.memory_space<vmem>> -> memref<1x128xi32, #tpu.memory_space<vmem>>
        %dma_wait3A_119 = tpu.memref_squeeze %dma_wait3A_118 : memref<1x128xi32, #tpu.memory_space<vmem>> -> memref<128xi32, #tpu.memory_space<vmem>>
        %dma_wait3A_120 = arith.constant 0 : i32
        %dma_wait3A_121 = arith.constant 0 : i32
        %dma_wait3A_122 = tpu.memref_slice %arg8[%dma_wait3A_120, %dma_wait3A_121] : memref<10000x128xf32, #tpu.memory_space<vmem_shared>> -> memref<10000x128xf32, #tpu.memory_space<vmem_shared>>
        tpu.wait_indirect_dma semaphore(%run_scoped3A : memref<!tpu.dma_semaphore, #tpu.memory_space<semaphore_mem>>) src(%arg5 : memref<128x128xf32, #tpu.memory_space<vmem>>) dst(%dma_wait3A_122 : memref<10000x128xf32, #tpu.memory_space<vmem_shared>>)
        tpu.yield
      }) : () -> ()
    } else {
    }
    %barrier3A_100 = arith.constant 0 : index
    tpu.barrier barrier_id(%barrier3A_100)
    %mul3A_101 = arith.constant 10000 : i32
    %mul3A_102 = arith.muli %arg0, %mul3A_101 : i32
    %add3A_103 = arith.addi %mul3A_102, %mul3A_44 : i32
    "tpu.region"() ({
      %run_scoped3A = tpu.sem_alloc : memref<!tpu.dma_semaphore, #tpu.memory_space<semaphore_mem>>
      %dma_start3A_109 = arith.constant 0 : i32
      %dma_start3A_110 = tpu.memref_slice %arg4[%add3A_103, %dma_start3A_109] : memref<20000x128xf32, #tpu.memory_space<hbm>> -> memref<624x128xf32, #tpu.memory_space<hbm>>
      %dma_start3A_111 = arith.constant 0 : i32
      %dma_start3A_112 = tpu.memref_slice %arg8[%mul3A_44, %dma_start3A_111] : memref<10000x128xf32, #tpu.memory_space<vmem_shared>> -> memref<624x128xf32, #tpu.memory_space<vmem_shared>>
      tpu.enqueue_dma source(%dma_start3A_112 : memref<624x128xf32, #tpu.memory_space<vmem_shared>>) target(%dma_start3A_110 : memref<624x128xf32, #tpu.memory_space<hbm>>) target_semaphore(%run_scoped3A : memref<!tpu.dma_semaphore, #tpu.memory_space<semaphore_mem>>)
      %dma_wait3A_113 = arith.constant 0 : i32
      %dma_wait3A_114 = tpu.memref_slice %arg4[%add3A_103, %dma_wait3A_113] : memref<20000x128xf32, #tpu.memory_space<hbm>> -> memref<624x128xf32, #tpu.memory_space<hbm>>
      %dma_wait3A_115 = arith.constant 0 : i32
      %dma_wait3A_116 = tpu.memref_slice %arg8[%mul3A_44, %dma_wait3A_115] : memref<10000x128xf32, #tpu.memory_space<vmem_shared>> -> memref<624x128xf32, #tpu.memory_space<vmem_shared>>
      tpu.wait_dma2 semaphore(%run_scoped3A : memref<!tpu.dma_semaphore, #tpu.memory_space<semaphore_mem>>) src(%dma_wait3A_116 : memref<624x128xf32, #tpu.memory_space<vmem_shared>>) dst(%dma_wait3A_114 : memref<624x128xf32, #tpu.memory_space<hbm>>)
      tpu.yield
    }) : () -> ()
    %eq3A_104 = arith.constant 15 : i32
    %eq3A_105 = arith.cmpi eq, %arg1, %eq3A_104 : i32
    %convert_element_type3A_106 = arith.extui %eq3A_105 : i1 to i32
    %cond3A_107 = arith.constant 0 : i32
    %cond3A_108 = arith.cmpi ne, %convert_element_type3A_106, %cond3A_107 : i32
    scf.if %cond3A_108 {
      %mul3A_109 = arith.constant 10000 : i32
      %mul3A_110 = arith.muli %arg0, %mul3A_109 : i32
      %add3A_111 = arith.constant 9984 : i32
      %add3A_112 = arith.addi %mul3A_110, %add3A_111 : i32
      "tpu.region"() ({
        %run_scoped3A = tpu.sem_alloc : memref<!tpu.dma_semaphore, #tpu.memory_space<semaphore_mem>>
        %dma_start3A_113 = arith.constant 0 : i32
        %dma_start3A_114 = tpu.memref_slice %arg4[%add3A_112, %dma_start3A_113] : memref<20000x128xf32, #tpu.memory_space<hbm>> -> memref<16x128xf32, #tpu.memory_space<hbm>>
        %dma_start3A_115 = arith.constant 9984 : i32
        %dma_start3A_116 = arith.constant 0 : i32
        %dma_start3A_117 = tpu.memref_slice %arg8[%dma_start3A_115, %dma_start3A_116] : memref<10000x128xf32, #tpu.memory_space<vmem_shared>> -> memref<16x128xf32, #tpu.memory_space<vmem_shared>>
        tpu.enqueue_dma source(%dma_start3A_117 : memref<16x128xf32, #tpu.memory_space<vmem_shared>>) target(%dma_start3A_114 : memref<16x128xf32, #tpu.memory_space<hbm>>) target_semaphore(%run_scoped3A : memref<!tpu.dma_semaphore, #tpu.memory_space<semaphore_mem>>)
        %dma_wait3A_118 = arith.constant 0 : i32
        %dma_wait3A_119 = tpu.memref_slice %arg4[%add3A_112, %dma_wait3A_118] : memref<20000x128xf32, #tpu.memory_space<hbm>> -> memref<16x128xf32, #tpu.memory_space<hbm>>
        %dma_wait3A_120 = arith.constant 9984 : i32
        %dma_wait3A_121 = arith.constant 0 : i32
        %dma_wait3A_122 = tpu.memref_slice %arg8[%dma_wait3A_120, %dma_wait3A_121] : memref<10000x128xf32, #tpu.memory_space<vmem_shared>> -> memref<16x128xf32, #tpu.memory_space<vmem_shared>>
        tpu.wait_dma2 semaphore(%run_scoped3A : memref<!tpu.dma_semaphore, #tpu.memory_space<semaphore_mem>>) src(%dma_wait3A_122 : memref<16x128xf32, #tpu.memory_space<vmem_shared>>) dst(%dma_wait3A_119 : memref<16x128xf32, #tpu.memory_space<hbm>>)
        tpu.yield
      }) : () -> ()
    } else {
    }
    return
  }
}

module attributes {stable_mosaic.version = 14 : i64} {
  func.func @_mlp_body(%arg0: i32, %arg1: memref<2000x128xf32, #tpu.memory_space<vmem>>, %arg2: memref<2000x128xf32, #tpu.memory_space<vmem>>, %arg3: memref<128x128xf32, #tpu.memory_space<vmem>>, %arg4: memref<1x128xf32, #tpu.memory_space<vmem>>, %arg5: memref<128x128xf32, #tpu.memory_space<vmem>>, %arg6: memref<1x128xf32, #tpu.memory_space<vmem>>, %arg7: memref<2000x128xf32, #tpu.memory_space<vmem>>) attributes {dimension_semantics = [#tpu.dimension_semantics<arbitrary>], iteration_bounds = array<i64: 5>, scalar_prefetch = 0 : i64, scratch_operands = 0 : i64, tpu.core_type = #tpu.core_type<tc>, window_params = [{transform_indices = @transform_0, window_bounds = array<i64: 2000, 128>}, {transform_indices = @transform_1, window_bounds = array<i64: 2000, 128>}, {pipeline_mode = #tpu.pipeline_mode<synchronous>, transform_indices = @transform_2, window_bounds = array<i64: 128, 128>}, {pipeline_mode = #tpu.pipeline_mode<synchronous>, transform_indices = @transform_3, window_bounds = array<i64: 1, 128>}, {pipeline_mode = #tpu.pipeline_mode<synchronous>, transform_indices = @transform_4, window_bounds = array<i64: 128, 128>}, {pipeline_mode = #tpu.pipeline_mode<synchronous>, transform_indices = @transform_5, window_bounds = array<i64: 1, 128>}, {transform_indices = @transform_6, window_bounds = array<i64: 2000, 128>}]} {
    %get3A = arith.constant 0 : index
    %get3A_0 = arith.constant 0 : index
    %get3A_1 = vector.load %arg1[%get3A, %get3A_0] : memref<2000x128xf32, #tpu.memory_space<vmem>>, vector<2000x128xf32>
    %get3A_2 = arith.constant 0 : index
    %get3A_3 = arith.constant 0 : index
    %get3A_4 = vector.load %arg2[%get3A_2, %get3A_3] : memref<2000x128xf32, #tpu.memory_space<vmem>>, vector<2000x128xf32>
    %add3A = arith.addf %get3A_1, %get3A_4 : vector<2000x128xf32>
    %get3A_5 = arith.constant 0 : index
    %get3A_6 = arith.constant 0 : index
    %get3A_7 = vector.load %arg3[%get3A_5, %get3A_6] : memref<128x128xf32, #tpu.memory_space<vmem>>, vector<128x128xf32>
    %dot_general3A = arith.constant dense<0.000000e+00> : vector<2000x128xf32>
    %dot_general3A_8 = tpu.matmul %add3A, %get3A_7, %dot_general3A {dimension_numbers = #tpu.dot_dimension_numbers<[1], [1], [0], [0], [0, 0, 1, 0], [], []>, transpose_lhs_hint = false} : vector<2000x128xf32>, vector<128x128xf32>, vector<2000x128xf32> -> vector<2000x128xf32>
    %get3A_9 = arith.constant 0 : index
    %get3A_10 = arith.constant 0 : index
    %get3A_11 = vector.load %arg4[%get3A_9, %get3A_10] : memref<1x128xf32, #tpu.memory_space<vmem>>, vector<1x128xf32>
    %add3A_12 = vector.broadcast %get3A_11 : vector<1x128xf32> to vector<2000x128xf32>
    %add3A_13 = arith.addf %dot_general3A_8, %add3A_12 : vector<2000x128xf32>
    %max3A = arith.constant 0.000000e+00 : f32
    %max3A_14 = vector.broadcast %max3A : f32 to vector<2000x128xf32>
    %max3A_15 = arith.maximumf %add3A_13, %max3A_14 : vector<2000x128xf32>
    %get3A_16 = arith.constant 0 : index
    %get3A_17 = arith.constant 0 : index
    %get3A_18 = vector.load %arg5[%get3A_16, %get3A_17] : memref<128x128xf32, #tpu.memory_space<vmem>>, vector<128x128xf32>
    %dot_general3A_19 = arith.constant dense<0.000000e+00> : vector<2000x128xf32>
    %dot_general3A_20 = tpu.matmul %max3A_15, %get3A_18, %dot_general3A_19 {dimension_numbers = #tpu.dot_dimension_numbers<[1], [1], [0], [0], [0, 0, 1, 0], [], []>, transpose_lhs_hint = false} : vector<2000x128xf32>, vector<128x128xf32>, vector<2000x128xf32> -> vector<2000x128xf32>
    %get3A_21 = arith.constant 0 : index
    %get3A_22 = arith.constant 0 : index
    %get3A_23 = vector.load %arg6[%get3A_21, %get3A_22] : memref<1x128xf32, #tpu.memory_space<vmem>>, vector<1x128xf32>
    %add3A_24 = vector.broadcast %get3A_23 : vector<1x128xf32> to vector<2000x128xf32>
    %add3A_25 = arith.addf %dot_general3A_20, %add3A_24 : vector<2000x128xf32>
    %swap3A = arith.constant 0 : index
    %swap3A_26 = arith.constant 0 : index
    %swap3A_27 = vector.load %arg7[%swap3A, %swap3A_26] : memref<2000x128xf32, #tpu.memory_space<vmem>>, vector<2000x128xf32>
    tpu.vector_store %arg7[%swap3A, %swap3A_26], %add3A_25 {strides = array<i32>} : memref<2000x128xf32, #tpu.memory_space<vmem>>, vector<2000x128xf32>,
    return
  }
  func.func @transform_0(%arg0: i32) -> (i32, i32) {
    %c0_i32 = arith.constant 0 : i32
    %c0_i32_0 = arith.constant 0 : i32
    return %arg0, %c0_i32 : i32, i32
  }
  func.func @transform_1(%arg0: i32) -> (i32, i32) {
    %add3A = arith.constant 5 : i32
    %add3A_0 = arith.addi %arg0, %add3A : i32
    %c0_i32 = arith.constant 0 : i32
    %c0_i32_1 = arith.constant 0 : i32
    return %add3A_0, %c0_i32 : i32, i32
  }
  func.func @transform_2(%arg0: i32) -> (i32, i32) {
    %c0_i32 = arith.constant 0 : i32
    %c0_i32_0 = arith.constant 0 : i32
    %c0_i32_1 = arith.constant 0 : i32
    return %c0_i32, %c0_i32_0 : i32, i32
  }
  func.func @transform_3(%arg0: i32) -> (i32, i32) {
    %c0_i32 = arith.constant 0 : i32
    %c0_i32_0 = arith.constant 0 : i32
    %c0_i32_1 = arith.constant 0 : i32
    return %c0_i32, %c0_i32_0 : i32, i32
  }
  func.func @transform_4(%arg0: i32) -> (i32, i32) {
    %c0_i32 = arith.constant 0 : i32
    %c0_i32_0 = arith.constant 0 : i32
    %c0_i32_1 = arith.constant 0 : i32
    return %c0_i32, %c0_i32_0 : i32, i32
  }
  func.func @transform_5(%arg0: i32) -> (i32, i32) {
    %c0_i32 = arith.constant 0 : i32
    %c0_i32_0 = arith.constant 0 : i32
    %c0_i32_1 = arith.constant 0 : i32
    return %c0_i32, %c0_i32_0 : i32, i32
  }
  func.func @transform_6(%arg0: i32) -> (i32, i32) {
    %c0_i32 = arith.constant 0 : i32
    %c0_i32_0 = arith.constant 0 : i32
    return %arg0, %c0_i32 : i32, i32
  }
}

</mosaic_0001>

<sc_bundles>
// kernel: kernel.4.cloned.1.call-start
scs
__scs_entry_jumppad:
0x0: {  	(pc) =	sbr.rel $0x88, $3  }
0x1: {  	(tag) =	ssettag $0x0;
	lr =	simm.s32 $0x1  }
0x2: {  	[smem:$0x3F9B] =	sst lr;
	_ =	strace $0xD0000000  }
0x3: {  	_ = 	snop  }
0x4: {  	_ = 	snop  }
0x5: {  	_ = 	snop  }
0x6: {  	_ = 	snop  }
0x7: {  	_ = 	snop  }
__scs_overlays_trampoline_lowered:
0x8: {  	[smem:$0x3FAA] =	sst s0  }
0x9: {  	[smem:$0x3FAB] =	sst s1  }
0xa: {  	[smem:$0x3FAC] =	sst s2  }
0xb: {  	[smem:$0x3FAD] =	sst s3  }
0xc: {  	[smem:$0x3FAE] =	sst s4  }
0xd: {  	[smem:$0x3FAF] =	sst s5  }
0xe: {  	[smem:$0x3FB0] =	sst s6  }
0xf: {  	[smem:$0x3FB1] =	sst s7  }
0x10: {  	[smem:$0x3FB2] =	sst s8  }
0x11: {  	[smem:$0x3FB3] =	sst s9;
	s0 =	simm.s32 @!p0 $0x0  }
0x12: {  	s1 =	sld [smem:$0x3F99];
	s0 =	simm.s32 @p0 $0x1  }
0x13: {  	[smem:$0x3FB4] =	sst s0;
	s0 =	simm.s32 @!p1 $0x0  }
0x14: {  	s2 =	sld [smem:$0x3F98];
	s0 =	simm.s32 @p1 $0x1  }
0x15: {  	[smem:$0x3FB5] =	sst s0;
	s0 =	simm.s32 @!p2 $0x0  }
0x16: {  	s3 =	sld [smem:$0x3FDB];
	s0 =	simm.s32 @p2 $0x1  }
0x17: {  	s4 =	simm.s32 $0x1BF5;
	[smem:$0x3FB7] =	sst s0  }
0x18: {  	s0 =	sld [smem:$0x3F9A];
	_ =	swait.ge [sflag:s4], $0x0  }
0x19: {  	s7 =	sld [smem:$0x3F9B]  }
0x1a: {  	s8 =	sadd.s32 $0xFFFFE003, lr  }
0x1b: {  	s9 =	sadd.s32 $0xFFFFFEF7, lr;
	s5 =	simm.s32 $0xFFFFFFFF;
	p2 =	slt.u32 s8, $0xFFFFF086  }
0x1c: {  	p1 =	slt.u32 s9, $0xF7A;
	s5 =	simm.s32 @!p2 $0x0  }
0x1d: {  	s5 =	simm.s32 @p1 $0x1;
	p0 =	seq.s32 s7, s2  }
0x1e: {  	s7 =	smul.u32 @!p0 $0xF7A, s2;
	p2 =	seq.s32 @!p0 s5, $0x0  }
0x1f: {  	s9 =	smul.u32 $0xF7A, s1;
	s8 =	simm.s32 @!p0 $0x1BF5;
	p2 =	por !p2, p0  }
0x20: {  	[sflag:s8] =	ssyncset.s32 @!p0 $0xFFFFF086;
	s6 =	sadd.s32 @!p0 s3, s7;
	s7 =	simm.s32 @!p0 $0x108  }
0x21: {  	s3 =	sadd.s32 s3, s9;
	s6 =	sadd.s32 @!p0 $0x88, s6;
	s7 =	simm.s32 @p2 $0x1082  }
0x22: {  	[simem:s7], [sflag:s8] =	dma.local @!p0 [hbm:s6], $0xF7A  }
0x23: {  	s9 =	sor.u32 $0xD0000000, s2;
	s6 =	simm.s32 $0x108;
	_ =	swait.ge @!p0 [sflag:s8], $0x0  }
0x24: {  	s3 =	sadd.s32 $0x88, s3;
	s6 =	simm.s32 @!p1 $0x1082;
	[sflag:s4] =	ssyncset.s32 $0xFFFFF086  }
0x25: {  	[simem:s6], [sflag:s4] =	dma.local [hbm:s3], $0xF7A  }
0x26: {  	[smem:$0x3F9B] =	sst s1;
	(tag) =	ssettag s2;
	_ =	strace s9  }
0x27: {  	s1 =	sld [smem:$0x3FAB]  }
0x28: {  	s2 =	sld [smem:$0x3FAC]  }
0x29: {  	s4 =	sld [smem:$0x3FAE]  }
0x2a: {  	p0 =	seq.s32 s5, $0x0;
	s5 =	sld [smem:$0x3FAF]  }
0x2b: {  	s6 =	sld [smem:$0x3FB0]  }
0x2c: {  	s7 =	sld [smem:$0x3FB1]  }
0x2d: {  	s3 =	simm.s32 $0x108;
	s8 =	sld [smem:$0x3FB2]  }
0x2e: {  	s3 =	simm.s32 @!p0 $0x1082;
	s9 =	sld [smem:$0x3FB3]  }
0x2f: {  	lr =	sadd.s32 s0, s3;
	s0 =	sld [smem:$0x3FAA]  }
0x30: {  	s3 =	sld [smem:$0x3FAD]  }
0x31: {  	[smem:$0x3FB6] =	sst s10  }
0x32: {  	s10 =	sld [smem:$0x3FB4];
	_ =	sdelay $0x3  }
0x33: {  	p0 =	seq.s32 s10, $0x1;
	s10 =	sld [smem:$0x3FB6];
	_ =	sdelay $0x3  }
0x34: {  	[smem:$0x3FB6] =	sst s10  }
0x35: {  	s10 =	sld [smem:$0x3FB5];
	_ =	sdelay $0x3  }
0x36: {  	p1 =	seq.s32 s10, $0x1;
	s10 =	sld [smem:$0x3FB6];
	_ =	sdelay $0x3  }
0x37: {  	[smem:$0x3FB6] =	sst s10  }
0x38: {  	s10 =	sld [smem:$0x3FB7]  }
0x39: {  	_ = 	snop;
	(pc) =	sbr.ind lr, $3  }
0x3a: {  	_ = 	snop  }
0x3b: {  	_ = 	snop  }
0x3c: {  	p2 =	seq.s32 s10, $0x1;
	s10 =	sld [smem:$0x3FB6]  }
0x3d: {  	_ =	shalt  }
0x3e: {  	_ =	shalt  }
0x3f: {  	_ =	shalt  }
0x40: {  	_ =	shalt  }
0x41: {  	_ =	shalt  }
0x42: {  	_ =	shalt  }
0x43: {  	_ =	shalt  }
0x44: {  	_ =	shalt  }
0x45: {  	_ =	shalt  }
0x46: {  	_ =	shalt  }
0x47: {  	_ =	shalt  }
0x48: {  	_ =	shalt  }
0x49: {  	_ =	shalt  }
0x4a: {  	_ =	shalt  }
0x4b: {  	_ =	shalt  }
0x4c: {  	_ =	shalt  }
0x4d: {  	_ =	shalt  }
0x4e: {  	_ =	shalt  }
0x4f: {  	_ =	shalt  }
0x50: {  	_ =	shalt  }
0x51: {  	_ =	shalt  }
0x52: {  	_ =	shalt  }
0x53: {  	_ =	shalt  }
0x54: {  	_ =	shalt  }
0x55: {  	_ =	shalt  }
0x56: {  	_ =	shalt  }
0x57: {  	_ =	shalt  }
0x58: {  	_ =	shalt  }
0x59: {  	_ =	shalt  }
0x5a: {  	_ =	shalt  }
0x5b: {  	_ =	shalt  }
0x5c: {  	_ =	shalt  }
0x5d: {  	_ =	shalt  }
0x5e: {  	_ =	shalt  }
0x5f: {  	_ =	shalt  }
0x60: {  	_ =	shalt  }
0x61: {  	_ =	shalt  }
0x62: {  	_ =	shalt  }
0x63: {  	_ =	shalt  }
0x64: {  	_ =	shalt  }
0x65: {  	_ =	shalt  }
0x66: {  	_ =	shalt  }
0x67: {  	_ =	shalt  }
0x68: {  	_ =	shalt  }
0x69: {  	_ =	shalt  }
0x6a: {  	_ =	shalt  }
0x6b: {  	_ =	shalt  }
0x6c: {  	_ =	shalt  }
0x6d: {  	_ =	shalt  }
0x6e: {  	_ =	shalt  }
0x6f: {  	_ =	shalt  }
0x70: {  	_ =	shalt  }
0x71: {  	_ =	shalt  }
0x72: {  	_ =	shalt  }
0x73: {  	_ =	shalt  }
0x74: {  	_ =	shalt  }
0x75: {  	_ =	shalt  }
0x76: {  	_ =	shalt  }
0x77: {  	_ =	shalt  }
0x78: {  	_ =	shalt  }
0x79: {  	_ =	shalt  }
0x7a: {  	_ =	shalt  }
0x7b: {  	_ =	shalt  }
0x7c: {  	_ =	shalt  }
0x7d: {  	_ =	shalt  }
0x7e: {  	_ =	shalt  }
0x7f: {  	_ =	shalt  }
0x80: {  	_ =	shalt  }
0x81: {  	_ =	shalt  }
0x82: {  	_ =	shalt  }
0x83: {  	_ =	shalt  }
0x84: {  	_ =	shalt  }
0x85: {  	_ =	shalt  }
0x86: {  	_ =	shalt  }
0x87: {  	_ =	shalt  }
.Lfunc_end0:
.L_simem_size_0:
called_computation_lowered:
.L_overlay_start_0:
0x88: {  	s2 =	sld [smem:$0x3FD9]  }
0x89: {  	s3 =	sld [smem:$0x3FFE];
	_ =	sdelay $0x1  }
0x8a: {  	s1 =	srdreg.scid  }
0x8b: {  	s0 =	sand.u32 $0x1, s1  }
0x8c: {  	s17 =	sshll.u32 s0, $0xA;
	s2 =	sadd.s32 s3, s2  }
0x8d: {  	s2 =	sadd.s32 s2, s17  }
0x8e: {  	[smem:$0x3FC2] =	sst s2  }
0x8f: {  	_ = 	snop  }
0x90: {  	s2 =	sld [smem:$0x3FC9]  }
0x91: {  	s18 =	sld [smem:$0x3FD0];
	(tm) =	ssettm $0x1  }
0x92: {  	s4 =	sld [smem:$0x3FFB];
	_ =	sdelay $0x3  }
0x93: {  	_ =	strace s4  }
0x94: {  	s4 =	sld [smem:$0x3FFC];
	_ =	sdelay $0x3  }
0x95: {  	_ =	strace s4  }
0x96: {  	s4 =	sld [smem:$0x3FFD];
	_ =	sdelay $0x3  }
0x97: {  	_ =	strace s4  }
0x98: {  	_ =	strace $0x8FFFFFFF  }
0x99: {  	s19 =	sld [smem:$0x3FDB];
	_ =	sdelay $0x1  }
0x9a: {  	s5 =	simm.s32 $_scs_section_size  }
0x9b: {  	s6 =	simm.s32 $_size__tile_overlayer_lowered;
	s7 =	simm.s32 $_tile_overlayer_lowered  }
0x9c: {  	s22 =	simm.s32 $0x1BFF;
	s21 =	sshll.u32 s7, $0x1;
	s4 =	sadd.s32 s5, s19  }
0x9d: {  	s8 =	simm.s32 $0x0;
	s20 =	sshll.u32 s6, $0x1;
	s6 =	sadd.s32 s21, s4  }
0x9e: {  	[timem:s8], [sflag:s22] =	dma.local [hbm:s6], s20  }
0x9f: {  	_ =	swait.ge [sflag:s22], s20  }
0xa0: {  	s5 =	ssub.s32 $0x0, s20;
	[sflag:s22] =	ssyncset.done $0x0  }
0xa1: {  	[sflag:s22] =	ssyncadd.s32 s5;
	_ =	sdelay $0x1  }
0xa2: {  	s23 =	simm.s32 $0x1B8B  }
0xa3: {  	_ =	swait.ge [sflag:s23], $0x1  }
0xa4: {  	[sflag:s23] =	ssyncset.done $0x0  }
0xa5: {  	s25 =	simm.s32 $0x1B8E;
	s24 =	sld [smem:$0x3FFE];
	[sflag:s23] =	ssyncadd.s32 $0xFFFFFFFF  }
0xa6: {  	s26 =	simm.s32 $execute0_lowered;
	[smem:$0x3FD2] =	sst s25  }
0xa7: {  	s6 =	sshll.u32 s26, $0x1;
	_ =	strace $0x80000046;
	[dreg:$0x1] =	wrdreg $0xFFFFFFFF  }
0xa8: {  	s28 =	simm.s32 $_size_execute0_lowered;
	s4 =	sadd.s32 s4, s6;
	[dreg:$0x0] =	wrdreg $0x0  }
0xa9: {  	s6 =	sshll.u32 s28, $0x1;
	[dreg:$0x2] =	wrdreg s4  }
0xaa: {  	[dreg:$0x3] =	wrdreg s6  }
0xab: {  	[dreg:$0x4] =	wrdreg $0xC0  }
0xac: {  	_ =	task [dreg:s8], $0x5FFFF  }
0xad: {  	[dreg:$0x1] =	wrdreg $0xFFFFFFFF  }
0xae: {  	[dreg:$0x0] =	wrdreg $0x60  }
0xaf: {  	[dreg:$0x2] =	wrdreg s2  }
0xb0: {  	[dreg:$0x3] =	wrdreg s18  }
0xb1: {  	[dreg:$0x4] =	wrdreg s24  }
0xb2: {  	[dreg:$0x5] =	wrdreg $0xAC000  }
0xb3: {  	[dreg:$0x6] =	wrdreg $0x9  }
0xb4: {  	_ =	task.clear_ibuf [dreg:s8], $0x7FFFF;
	_ =	strace $0x90000046  }
0xb5: {  	s29 =	simm.s32 $0x9;
	_ =	strace $0x80000048  }
0xb6: {  	_ =	swait.ge [sflag:s29], $0x1  }
0xb7: {  	[sflag:s29] =	ssyncadd.s32 $0xFFFFFFFF  }
0xb8: {  	_ =	strace $0x90000048  }
0xb9: {  	_ =	sfence  }
0xba: {  	s30 =	sld [smem:$0x0];
	_ =	sdelay $0x2  }
0xbb: {  	s31 =	sshll.u32 s1, $0xD;
	s1 =	sshrl.u32 s1, $0x2  }
0xbc: {  	s3 =	sand.u32 $0x4000, s31;
	s1 =	sadd.s32 s1, s30  }
0xbd: {  	s0 =	sor.u32 s3, s0;
	s1 =	sshll.u32 s1, $0x11  }
0xbe: {  	s0 =	sor.u32 s1, s0  }
0xbf: {  	s0 =	sadd.s32 $0x8F2B, s0  }
0xc0: {  	[sflag:s0] =	ssyncadd.remote.s32 $0x1  }
0xc1: {  	_ =	sfence.sel $0xFFFF  }
0xc2: {  	[dreg:$0x0] =	wrdreg $0xFFFFFFFF;
	(pc) =	sbr.abs _section_cstart, $3  }
0xc3: {  	[dreg:$0x1] =	wrdreg $0xFFFFFFFF  }
0xc4: {  	_ =	task.clear_ibuf [dreg:s8], $0x2FFFF;
	_ =	strace $0x9FFFFFFF  }
0xc5: {  	(tm) =	ssettm $0x7FFFFFFF  }
tec
execute0_lowered:
.L_overlay_start_1:
0x0: {  	(tag) =	ssettag $0x1  }
0x1: {  	s1 =	rddreg [dreg:$0x0]  }
0x2: {  	s8 =	rddreg [dreg:$0x1]  }
0x3: {  	s5 =	rddreg [dreg:$0x2];
	s3 =	srdreg.scid  }
0x4: {  	s2 =	rddreg [dreg:$0x3];
	s12 =	sand.u32 $0x1, s3  }
0x5: {  	s4 =	simm.s32 $0x0;
	s3 =	stileid.u32;
	s6 =	smul.u32 $0x4E2, s12  }
0x6: {  	s22 =	simm.s32 $0x3;
	s23 =	simm.s32 $0x2;
	s7 =	smul.u32 $0x4E, s3  }
0x7: {  	[smem:$0x7FF] =	sst s4;
	s17 =	sadd.s32 $0xE00, s5;
	s10 =	smul.u32 $0x4E000, s3  }
0x8: {  	s13 =	sadd.s32 $0x138000, s2;
	_ =	strace $0x80000047;
	s16 =	smul.u32 $0x2700, s3  }
0x9: {  	s9 =	ssub.s32 $0x2, s12;
	s25 =	smin.u32 s3, $0x2;
	s19 =	smul.u32 $0x27100, s12  }
0xa: {  	s20 =	smul.u32 $0x138800, s12;
	p0 =	sne.s32 s3, $0xF;
	s26 =	sshrl.u32 s9, $0x1  }
0xb: {  	p1 =	sgt.u32 s3, $0x1;
	s24 =	sadd.s32 s7, s6;
	s18 =	ssub.s32 s9, s26  }
0xc: {  	s29 =	sshrl.u32 s10, $0x2;
	s16 =	sadd.s32 s16, s19;
	s31 =	sshrl.u32 s20, $0x3  }
0xd: {  	s26 =	simm.s32 $0x0;
	s5 =	sadd.s32 s25, s24;
	s7 =	sadd.s32 s29, s2  }
0xe: {  	s16 =	sadd.s32 s17, s16;
	s17 =	sadd.s32 s17, s31;
	s18 =	smax.u32 s18, $0x1  }
0xf: {  	s24 =	simm.s32 $0x1;
	s25 =	simm.s32 $0x80;
	s15 =	sand.u32 $0x7, s5  }
0x10: {  	s6 =	sshll.u32 s5, $0xB;
	s28 =	sshll.u32 s5, $0x4;
	s9 =	sadd.s32 $0x4000, s7  }
0x11: {  	s10 =	sadd.s32 $0x8000, s7;
	s11 =	sadd.s32 $0xC000, s7;
	s12 =	sadd.s32 $0x10000, s7  }
0x12: {  	s17 =	sadd.s32 $0x27000, s17;
	s6 =	sadd.s32 s1, s6;
	s30 =	sand.u32 $0x1FF80, s28  }
0x13: {  	s21 =	sshll.u32 s15, $0x7;
	s8 =	sadd.s32 s8, s30;
	s14 =	sadd.s32 $0x800, s6  }
0x14: {  	v0 =	vimm.f32 $0.0e+00;
	s15 =	sadd.s32 $0xA700, s21;
	s19 =	sadd.s32 $0x8080, s21;
	s21 =	simm.s32 $0x4000  }
.LBB2_1:
0x15: {  	[tilespmem:s4], [sflag:$0x1] =	stream.linear.gather [hbm4b:s6+s4], $0x4000, $0x38;
	[tilespmem:$0x1E480] =	vst v63  }
0x16: {  	s0 =	simm.s32 $0x8000;
	s28 =	simm.s32 $0x0;
	s29 =	simm.s32 $0x200  }
0x17: {  	[tilespmem:s0], [sflag:$0x2] =	stream.linear.gather [hbm4b:s8+s4], $0x2C00, $0x38;
	[tilespmem:$0x1E480] =	vst v63  }
.LBB2_2:
0x18: {  	p2 =	sne.s32 s29, $0xFE00;
	[tilespmem:s28+$0x4070] =	vst v0  }
0x19: {  	[tilespmem:s28+$0x4000] =	vst v0  }
0x1a: {  	[tilespmem:s28+$0x4010] =	vst v0  }
.Ltmp0:
0x1b: {  	[tilespmem:s28+$0x4020] =	vst v0;
	(pc) =	sbr.rel @p2 .LBB2_2-.Ltmp0, $4  }
0x1c: {  	[tilespmem:s28+$0x4030] =	vst v0  }
0x1d: {  	[tilespmem:s28+$0x4040] =	vst v0  }
0x1e: {  	[tilespmem:s28+$0x4050] =	vst v0  }
0x1f: {  	[tilespmem:s28+$0x4060] =	vst v0;
	s28 =	sshra.s32 s29, $0x2;
	s29 =	sadd.s32 $0x200, s29  }
0x20: {  	[tilespmem:s28+$0x4070] =	vst v0  }
0x21: {  	[tilespmem:s28+$0x4000] =	vst v0  }
0x22: {  	[tilespmem:s28+$0x4010] =	vst v0  }
0x23: {  	[tilespmem:s28+$0x4020] =	vst v0  }
0x24: {  	[tilespmem:s28+$0x4030] =	vst v0  }
0x25: {  	[tilespmem:s28+$0x4040] =	vst v0  }
0x26: {  	[tilespmem:s28+$0x4050] =	vst v0  }
0x27: {  	[tilespmem:s28+$0x4060] =	vst v0  }
0x28: {  	[spmem:s7] =	stream.linear.scatter [tilespmem:s21], [sflag:$0x3], $0x4000, $0x38;
	[tilespmem:$0x1E480] =	vst v63  }
0x29: {  	_ =	swait.ge [sflag:s22], $0x4000  }
0x2a: {  	[sflag:s22] =	ssyncset.done $0x0  }
0x2b: {  	[sflag:s22] =	ssyncadd.s32 $0xFFFFC000  }
0x2c: {  	[spmem:s9] =	stream.linear.scatter [tilespmem:s21], [sflag:$0x3], $0x4000, $0x38;
	[tilespmem:$0x1E480] =	vst v63  }
0x2d: {  	_ =	swait.ge [sflag:s22], $0x4000  }
0x2e: {  	[sflag:s22] =	ssyncset.done $0x0  }
0x2f: {  	[sflag:s22] =	ssyncadd.s32 $0xFFFFC000  }
0x30: {  	[spmem:s10] =	stream.linear.scatter [tilespmem:s21], [sflag:$0x3], $0x4000, $0x38;
	[tilespmem:$0x1E480] =	vst v63  }
0x31: {  	_ =	swait.ge [sflag:s22], $0x4000  }
0x32: {  	[sflag:s22] =	ssyncset.done $0x0  }
0x33: {  	[sflag:s22] =	ssyncadd.s32 $0xFFFFC000  }
0x34: {  	[spmem:s11] =	stream.linear.scatter [tilespmem:s21], [sflag:$0x3], $0x4000, $0x38;
	[tilespmem:$0x1E480] =	vst v63  }
0x35: {  	_ =	swait.ge [sflag:s22], $0x4000  }
0x36: {  	[sflag:s22] =	ssyncset.done $0x0  }
0x37: {  	[sflag:s22] =	ssyncadd.s32 $0xFFFFC000  }
0x38: {  	[spmem:s12] =	stream.linear.scatter [tilespmem:s21], [sflag:$0x3], $0x3800, $0x38;
	[tilespmem:$0x1E480] =	vst v63  }
0x39: {  	_ =	swait.ge [sflag:s22], $0x3800  }
0x3a: {  	[sflag:s22] =	ssyncset.done $0x0  }
0x3b: {  	s28 =	simm.s32 @!p0 $0x4000;
	[sflag:s22] =	ssyncadd.s32 $0xFFFFC800  }
0x3c: {  	[spmem:s13] =	stream.linear.scatter @!p0 [tilespmem:s28], [sflag:$0x3], $0x800, $0x38;
	[tilespmem:$0x1E480] =	vst v63  }
0x3d: {  	s28 =	simm.s32 @!p0 $0x3  }
0x3e: {  	_ =	swait.ge @!p0 [sflag:s28], $0x800  }
0x3f: {  	[sflag:s28] =	ssyncset.done @!p0 $0x0  }
0x40: {  	[sflag:s28] =	ssyncadd.s32 @!p0 $0xFFFFF800  }
0x41: {  	_ =	swait.ge [sflag:s23], $0x2C00  }
0x42: {  	[sflag:s23] =	ssyncset.done $0x0  }
0x43: {  	[sflag:s23] =	ssyncadd.s32 $0xFFFFD400  }
0x44: {  	s28 =	simm.s32 $0x0;
	[bflag:$0x0] =	sbarrier.arrive $0xFFFF  }
0x45: {  	[tilespmem:s21], [sflag:$0x2] =	stream.linear.gather [hbm4b:s14+s28], $0x4000, $0x38;
	[tilespmem:$0x1E480] =	vst v63  }
0x46: {  	s28 =	sadd.s32 $0x0, s5  }
0x47: {  	_ =	swait.ge [sflag:s24], $0x4000;
	p2 =	slt.s32 s28, $0x9C1;
	s29 =	smov.u32 s28  }
0x48: {  	[sflag:s24] =	ssyncset.done $0x0;
	s29 =	simm.s32 @!p2 $0x9C1  }
0x49: {  	s30 =	sadd.s32 $0xFFFFFF80, s19;
	[sflag:s24] =	ssyncadd.s32 $0xFFFFC000;
	s29 =	sshll.u32 s29, $0xB  }
0x4a: {  	[spmem:s2] =	stream.indirect.scatter.add.f32 [tilespmem:s4], [sflag:$0x3], $0x80, s30, s25, $0xb8;
	[tilespmem:$0x1E480] =	vst v63  }
0x4b: {  	s29 =	sadd.s32 $0x1000, s29;
	_ =	swait.ge [sflag:s22], $0x4000  }
0x4c: {  	p2 =	slt.s32 s28, $0x9C0;
	s29 =	sand.u32 $0x1FFFF800, s29;
	[sflag:s22] =	ssyncset.done $0x0  }
0x4d: {  	s28 =	simm.s32 @!p2 $0x9C0;
	s29 =	sadd.s32 s1, s29;
	[sflag:s22] =	ssyncadd.s32 $0xFFFFC000  }
0x4e: {  	[tilespmem:s4], [sflag:$0x1] =	stream.linear.gather [hbm4b:s29+s4], $0x4000, $0x38;
	[tilespmem:$0x1E480] =	vst v63  }
0x4f: {  	s28 =	sshll.u32 s28, $0xB;
	_ =	swait.ge [sflag:s23], $0x4000  }
0x50: {  	s28 =	sadd.s32 $0x1800, s28;
	[sflag:s23] =	ssyncset.done $0x0  }
0x51: {  	s28 =	sand.u32 $0x1FFFF800, s28;
	[sflag:s23] =	ssyncadd.s32 $0xFFFFC000  }
0x52: {  	[spmem:s2] =	stream.indirect.scatter.add.f32 [tilespmem:s21], [sflag:$0x3], $0x80, s19, s25, $0xb8;
	[tilespmem:$0x1E480] =	vst v63  }
0x53: {  	s30 =	sadd.s32 s1, s28;
	_ =	swait.ge [sflag:s22], $0x4000  }
0x54: {  	s28 =	sadd.s32 $0x100, s19;
	s29 =	simm.s32 $0x2;
	[sflag:s22] =	ssyncset.done $0x0  }
.LBB2_4:
0x55: {  	s31 =	sadd.s32 $0xFFFFFF80, s28  }
0x56: {  	s0 =	sadd.s32 s29, s5;
	[sflag:s22] =	ssyncadd.s32 $0xFFFFC000;
	s20 =	smov.u32 s29  }
0x57: {  	[tilespmem:s21], [sflag:$0x2] =	stream.linear.gather [hbm4b:s30+s4], $0x4000, $0x38;
	[tilespmem:$0x1E480] =	vst v63  }
0x58: {  	p2 =	slt.s32 s0, $0x9C1  }
0x59: {  	p3 =	slt.s32 s0, $0x9C0;
	s20 =	smov.u32 s0;
	_ =	swait.ge [sflag:s24], $0x4000  }
0x5a: {  	s20 =	simm.s32 @!p2 $0x9C1;
	s0 =	simm.s32 @!p3 $0x9C0;
	[sflag:s24] =	ssyncset.done $0x0  }
0x5b: {  	s20 =	sshll.u32 s20, $0xB;
	s0 =	sshll.u32 s0, $0xB;
	[sflag:s24] =	ssyncadd.s32 $0xFFFFC000  }
0x5c: {  	[spmem:s2] =	stream.indirect.scatter.add.f32 [tilespmem:s4], [sflag:$0x3], $0x80, s31, s25, $0xb8;
	[tilespmem:$0x1E480] =	vst v63  }
0x5d: {  	s20 =	sadd.s32 $0x1000, s20;
	s0 =	sadd.s32 $0x1800, s0;
	_ =	swait.ge [sflag:s22], $0x4000  }
0x5e: {  	s20 =	sand.u32 $0x1FFFF800, s20;
	s0 =	sand.u32 $0x1FFFF800, s0;
	[sflag:s22] =	ssyncset.done $0x0  }
0x5f: {  	s31 =	sadd.s32 $0x2, s29;
	s20 =	sadd.s32 s1, s20;
	[sflag:s22] =	ssyncadd.s32 $0xFFFFC000  }
0x60: {  	[tilespmem:s4], [sflag:$0x1] =	stream.linear.gather [hbm4b:s20+s4], $0x4000, $0x38;
	[tilespmem:$0x1E480] =	vst v63  }
0x61: {  	p2 =	sne.s32 s29, $0x4C;
	_ =	swait.ge [sflag:s23], $0x4000  }
.Ltmp1:
0x62: {  	[sflag:s23] =	ssyncset.done $0x0;
	(pc) =	sbr.rel @p2 .LBB2_4-.Ltmp1, $4  }
0x63: {  	[sflag:s23] =	ssyncadd.s32 $0xFFFFC000  }
0x64: {  	[spmem:s2] =	stream.indirect.scatter.add.f32 [tilespmem:s21], [sflag:$0x3], $0x80, s28, s25, $0xb8;
	[tilespmem:$0x1E480] =	vst v63  }
0x65: {  	s30 =	sadd.s32 s1, s0;
	_ =	swait.ge [sflag:s22], $0x4000  }
0x66: {  	s29 =	smov.u32 s31;
	s28 =	sadd.s32 $0x100, s28;
	[sflag:s22] =	ssyncset.done $0x0  }
0x67: {  	[sflag:s22] =	ssyncadd.s32 $0xFFFFC000  }
0x68: {  	[tilespmem:s21], [sflag:$0x2] =	stream.linear.gather [hbm4b:s30+s4], $0x4000, $0x38;
	[tilespmem:$0x1E480] =	vst v63  }
0x69: {  	_ =	swait.ge [sflag:s24], $0x4000  }
0x6a: {  	[sflag:s24] =	ssyncset.done $0x0  }
0x6b: {  	[sflag:s24] =	ssyncadd.s32 $0xFFFFC000  }
0x6c: {  	_ =	swait.ge [sflag:s23], $0x4000  }
0x6d: {  	[sflag:s23] =	ssyncset.done $0x0  }
0x6e: {  	s0 =	simm.s32 @!p1 $0x80;
	s20 =	simm.s32 @!p1 $0x0;
	[sflag:s23] =	ssyncadd.s32 $0xFFFFC000  }
0x6f: {  	[spmem:s2] =	stream.indirect.scatter.add.f32 @!p1 [tilespmem:s20], [sflag:$0x3], $0x80, s15, s0, $0xb8;
	[tilespmem:$0x1E480] =	vst v63  }
0x70: {  	s0 =	simm.s32 @!p1 $0x3  }
0x71: {  	_ =	swait.ge @!p1 [sflag:s0], $0x4000  }
0x72: {  	[sflag:s0] =	ssyncset.done @!p1 $0x0  }
0x73: {  	s30 =	sshll.u32 s3, $0x6;
	[sflag:s0] =	ssyncadd.s32 @!p1 $0xFFFFC000  }
0x74: {  	s31 =	sshrl.u32 s7, $0x3;
	s0 =	sor.u32 $0x1C03, s30;
	[bflag:$0x0] =	sbarrier.arrive $0xFFFF  }
0x75: {  	[hbm:s16], [sflag:s0] =	dma.local [spmem:s31], $0x2700  }
0x76: {  	_ =	swait.ge [sflag:s22], $0x2700  }
0x77: {  	s26 =	sadd.s32 $0x1, s26;
	[sflag:s22] =	ssyncset.done $0x0  }
0x78: {  	p2 =	sne.s32 s26, s18;
	s20 =	sshrl.u32 @!p0 s13, $0x3;
	[sflag:s22] =	ssyncadd.s32 $0xFFFFD900  }
0x79: {  	[hbm:s17], [sflag:s0] =	dma.local @!p0 [spmem:s20], $0x100  }
.Ltmp2:
0x7a: {  	_ = 	snop;
	(pc) =	sbr.rel @p2 .LBB2_1-.Ltmp2, $4  }
0x7b: {  	s0 =	simm.s32 @!p0 $0x3  }
0x7c: {  	_ =	swait.ge @!p0 [sflag:s0], $0x100  }
0x7d: {  	[sflag:s0] =	ssyncset.done @!p0 $0x0  }
0x7e: {  	[sflag:s0] =	ssyncadd.s32 @!p0 $0xFFFFFF00  }
0x7f: {  	_ =	sfence.sel $0x180000  }
0x80: {  	[bflag:$0x0] =	sbarrier.arrive $0xFFFF  }
0x81: {  	_ =	strace $0x90000047  }
0x82: {  	[bflag:$0x2] =	sbarrier.arrive $0xFFFF  }
0x83: {  	p0 =	sne.s32 s3, $0x0;
	s0 =	rddreg [dreg:$0x4]  }
0x84: {  	s0 =	sadd.s32 @!p0 $0x100000, s0  }
0x85: {  	[sflag:s0] =	ssyncadd.tile.s32 @!p0 $0x1;
	_ =	shalt  }
.Lfunc_end2:
_tile_overlayer_lowered:
.L_overlay_start_2:
0x86: {  	(tag) =	ssettag $0x2  }
0x87: {  	s0 =	rddreg [dreg:$0x0];
	s2 =	stileid.u32  }
0x88: {  	s1 =	rddreg [dreg:$0x1];
	p0 =	sne.s32 s2, $0x0  }
0x89: {  	s3 =	rddreg [dreg:$0x2];
	[bflag:$0x3] =	sbarrier.arrive $0xFFFF;
	s2 =	simm.s32 @!p0 $0x1C03  }
0x8a: {  	[timem:s3], [sflag:s2] =	dma.local @!p0 [hbm:s0], s1  }
0x8b: {  	s0 =	simm.s32 @!p0 $0x3  }
0x8c: {  	_ =	swait.ge @!p0 [sflag:s0], s1  }
0x8d: {  	s1 =	ssub.s32 @!p0 $0x0, s1;
	[sflag:s0] =	ssyncset.done @!p0 $0x0  }
0x8e: {  	[sflag:s0] =	ssyncadd.s32 @!p0 s1  }
0x8f: {  	[bflag:$0x3] =	sbarrier.arrive $0xFFFF  }
0x90: {  	_ =	shalt  }

</sc_bundles>
